<compile_context>
chip_gen: v7x
topology: tpu7x:2x2x1
jax: 0.10.2.dev20260603
libtpu: 0.0.44.dev20260713+nightly
codegen_flags: <defaults>
</compile_context>

<pallas_src>
import functools

import jax
import jax.numpy as jnp
from jax import lax
from jax.experimental import pallas as pl
from jax.experimental.pallas import tpu as pltpu
from jax.experimental.pallas import tpu_sc as plsc

_CHUNK = 128
_W = 128


@functools.cache
def _make_kernel(B, D_u, D_m):
    info = plsc.get_sparse_core_info()
    NC, NS = info.num_cores, info.num_subcores
    NW = NC * NS
    assert B % (NW * _CHUNK) == 0
    b_per_w = B // NW
    n_ch = b_per_w // _CHUNK
    D = D_u + D_m
    mesh = plsc.VectorSubcoreMesh(core_axis_name="c", subcore_axis_name="s")

    @functools.partial(
        pl.kernel,
        mesh=mesh,
        out_type=jax.ShapeDtypeStruct((B, D), jnp.float32),
        compiler_params=pltpu.CompilerParams(use_tc_tiling_on_sc=True),
        scratch_types=[
            pltpu.VMEM((n_ch, _CHUNK), jnp.int32),
            pltpu.VMEM((n_ch, _CHUNK), jnp.int32),
            pltpu.VMEM((_CHUNK, _W), jnp.float32),
            pltpu.VMEM((_CHUNK, _W), jnp.float32),
            pltpu.VMEM((b_per_w, D), jnp.float32),
            pltpu.SemaphoreType.DMA,
        ],
    )
    def k(uid_hbm, mid_hbm, ut_hbm, mt_hbm, out_hbm,
          uids, mids, tu, tm, comb, sem):
        wid = lax.axis_index("s") * NC + lax.axis_index("c")
        base = wid * b_per_w
        for c in range(n_ch):
            pltpu.sync_copy(uid_hbm.at[pl.ds(base + c * _CHUNK, _CHUNK)],
                            uids.at[c])
            pltpu.sync_copy(mid_hbm.at[pl.ds(base + c * _CHUNK, _CHUNK)],
                            mids.at[c])
        for c in range(n_ch):
            cu = pltpu.async_copy(ut_hbm.at[uids.at[c]], tu, sem)
            cm = pltpu.async_copy(mt_hbm.at[mids.at[c]], tm, sem)
            cu.wait()
            cm.wait()

            @pl.loop(0, _CHUNK)
            def _merge(rr):
                r = c * _CHUNK + rr
                comb[r, pl.ds(0, 16)] = tu[rr, pl.ds(0, 16)]
                comb[r, pl.ds(15, 16)] = tu[rr, pl.ds(15, 16)]
                comb[r, pl.ds(D_u, 16)] = tm[rr, pl.ds(0, 16)]
                comb[r, pl.ds(D_u + 1, 16)] = tm[rr, pl.ds(1, 16)]

        pltpu.sync_copy(comb, out_hbm.at[pl.ds(base, b_per_w)])

    return k


def kernel(user_ids, movie_ids, user_table, movie_table):
    B = user_ids.shape[0]
    N_u, D_u = user_table.shape
    N_m, D_m = movie_table.shape
    ut128 = jnp.pad(user_table, ((0, 0), (0, _W - D_u)))
    mt128 = jnp.pad(movie_table, ((0, 0), (0, _W - D_m)))
    k = _make_kernel(B, D_u, D_m)
    return k(user_ids, movie_ids, ut128, mt128)

# --- scband reference (transcript-rebuilt; emitter-appended) ---
"""Pipeline reference for scband-recommender-89146341195938 (READ-ONLY COPY).

The authoritative reference and input builder live on the scoring server;
editing this copy changes nothing except your own understanding.
"""

import jax, jax.numpy as jnp
import numpy as np

N_USERS = 1000000
N_MOVIES = 100000
D_USER = int(N_USERS ** 0.25)   # 31, matches Embedding(output_dim=n_users**(1/4)) coerced to int
D_MOVIE = int(N_MOVIES ** 0.25)  # 17
BATCH = 16384


def setup_inputs(seed: int = 0) -> dict:
    key = jax.random.key(seed)
    k1, k2, k3, k4 = jax.random.split(key, 4)
    user_ids = jax.random.randint(k1, (BATCH,), 0, N_USERS, dtype=jnp.int64 if jax.config.jax_enable_x64 else jnp.int32).astype(jnp.int32)
    movie_ids = jax.random.randint(k2, (BATCH,), 0, N_MOVIES, dtype=jnp.int32)
    user_table = jax.random.normal(k3, (N_USERS, D_USER), dtype=jnp.float32) * 0.05
    movie_table = jax.random.normal(k4, (N_MOVIES, D_MOVIE), dtype=jnp.float32) * 0.05
    return {"user_ids": user_ids, "movie_ids": movie_ids, "user_table": user_table, "movie_table": movie_table}


def reference(user_ids, movie_ids, user_table, movie_table):
    # Faithful translation: two embedding lookups (keras.layers.Embedding == row gather).
    # Module defines no further call logic, so forward is the pair of lookups,
    # concatenated along the feature axis as the combined representation.
    u = jnp.take(user_table, user_ids, axis=0)   # [B, D_USER]
    m = jnp.take(movie_table, movie_ids, axis=0)  # [B, D_MOVIE]
    return jnp.concatenate([u, m], axis=-1)      # [B, D_USER + D_MOVIE]

if __name__ == "__main__":
    import jax
    _d = setup_inputs()
    print(jax.jit(kernel)(*tuple(_d.values())))

</pallas_src>

<mosaic_0001>
#map = affine_map<(d0, d1) -> (0)>
#map1 = affine_map<(d0, d1) -> (0, 0)>
module attributes {stable_mosaic.version = 14 : i64} {
  func.func @k(%arg0: i32, %arg1: i32, %arg2: memref<16384xi32, #tpu.memory_space<hbm>>, %arg3: memref<16384xi32, #tpu.memory_space<hbm>>, %arg4: memref<1000000x128xf32, #tpu.memory_space<hbm>>, %arg5: memref<100000x128xf32, #tpu.memory_space<hbm>>, %arg6: memref<16384x48xf32, #tpu.memory_space<hbm>>, %arg7: memref<4x128xi32, #tpu.memory_space<vmem>>, %arg8: memref<4x128xi32, #tpu.memory_space<vmem>>, %arg9: memref<128x128xf32, #tpu.memory_space<vmem>>, %arg10: memref<128x128xf32, #tpu.memory_space<vmem>>, %arg11: memref<512x48xf32, #tpu.memory_space<vmem>>, %arg12: memref<!tpu.dma_semaphore, #tpu.memory_space<semaphore_mem>>) attributes {dimension_semantics = [#tpu.dimension_semantics<core_parallel>, #tpu.dimension_semantics<subcore_parallel>], iteration_bounds = array<i64: 2, 16>, scalar_prefetch = 0 : i64, scratch_operands = 6 : i64, tpu.core_type = #tpu.core_type<sc_vector_subcore>, window_params = [{transform_indices = #map}, {transform_indices = #map}, {transform_indices = #map1}, {transform_indices = #map1}, {transform_indices = #map1}]} {
    %mul3A = arith.constant 2 : i32
    %mul3A_0 = arith.muli %arg1, %mul3A : i32
    %add3A = arith.addi %mul3A_0, %arg0 : i32
    %mul3A_1 = arith.constant 512 : i32
    %mul3A_2 = arith.muli %add3A, %mul3A_1 : i32
    %add3A_3 = arith.constant 0 : i32
    %add3A_4 = arith.addi %mul3A_2, %add3A_3 : i32
    %run_scoped3A = arith.constant 0 : i32
    "tpu.region"() ({
      %run_scoped3A_155 = tpu.sem_alloc : memref<!tpu.dma_semaphore, #tpu.memory_space<semaphore_mem>>
      %dma_start3A_156 = arith.constant 0 : i32
      %dma_start3A_157 = tpu.memref_slice %arg7[%run_scoped3A, %dma_start3A_156] : memref<4x128xi32, #tpu.memory_space<vmem>> -> memref<1x128xi32, #tpu.memory_space<vmem>>
      %dma_start3A_158 = tpu.memref_squeeze %dma_start3A_157 : memref<1x128xi32, #tpu.memory_space<vmem>> -> memref<128xi32, #tpu.memory_space<vmem>>
      %dma_start3A_159 = tpu.memref_slice %arg2[%add3A_4] : memref<16384xi32, #tpu.memory_space<hbm>> -> memref<128xi32, #tpu.memory_space<hbm>>
      %dma_start3A_160 = arith.constant 0 : i32
      %dma_start3A_161 = tpu.memref_slice %arg7[%run_scoped3A, %dma_start3A_160] : memref<4x128xi32, #tpu.memory_space<vmem>> -> memref<1x128xi32, #tpu.memory_space<vmem>>
      %dma_start3A_162 = tpu.memref_squeeze %dma_start3A_161 : memref<1x128xi32, #tpu.memory_space<vmem>> -> memref<128xi32, #tpu.memory_space<vmem>>
      %dma_start3A_163 = tpu.memref_slice %arg2[%add3A_4] : memref<16384xi32, #tpu.memory_space<hbm>> -> memref<128xi32, #tpu.memory_space<hbm>>
      tpu.enqueue_dma source(%dma_start3A_163 : memref<128xi32, #tpu.memory_space<hbm>>) target(%dma_start3A_162 : memref<128xi32, #tpu.memory_space<vmem>>) target_semaphore(%run_scoped3A_155 : memref<!tpu.dma_semaphore, #tpu.memory_space<semaphore_mem>>)
      %dma_wait3A_164 = arith.constant 0 : i32
      %dma_wait3A_165 = tpu.memref_slice %arg7[%run_scoped3A, %dma_wait3A_164] : memref<4x128xi32, #tpu.memory_space<vmem>> -> memref<1x128xi32, #tpu.memory_space<vmem>>
      %dma_wait3A_166 = tpu.memref_squeeze %dma_wait3A_165 : memref<1x128xi32, #tpu.memory_space<vmem>> -> memref<128xi32, #tpu.memory_space<vmem>>
      %dma_wait3A_167 = tpu.memref_slice %arg2[%add3A_4] : memref<16384xi32, #tpu.memory_space<hbm>> -> memref<128xi32, #tpu.memory_space<hbm>>
      %dma_wait3A_168 = arith.constant 0 : i32
      %dma_wait3A_169 = tpu.memref_slice %arg7[%run_scoped3A, %dma_wait3A_168] : memref<4x128xi32, #tpu.memory_space<vmem>> -> memref<1x128xi32, #tpu.memory_space<vmem>>
      %dma_wait3A_170 = tpu.memref_squeeze %dma_wait3A_169 : memref<1x128xi32, #tpu.memory_space<vmem>> -> memref<128xi32, #tpu.memory_space<vmem>>
      %dma_wait3A_171 = tpu.memref_slice %arg2[%add3A_4] : memref<16384xi32, #tpu.memory_space<hbm>> -> memref<128xi32, #tpu.memory_space<hbm>>
      tpu.wait_dma2 semaphore(%run_scoped3A_155 : memref<!tpu.dma_semaphore, #tpu.memory_space<semaphore_mem>>) src(%dma_wait3A_171 : memref<128xi32, #tpu.memory_space<hbm>>) dst(%dma_wait3A_170 : memref<128xi32, #tpu.memory_space<vmem>>)
      tpu.yield
    }) : () -> ()
    %add3A_5 = arith.constant 0 : i32
    %add3A_6 = arith.addi %mul3A_2, %add3A_5 : i32
    %run_scoped3A_7 = arith.constant 0 : i32
    "tpu.region"() ({
      %run_scoped3A_155 = tpu.sem_alloc : memref<!tpu.dma_semaphore, #tpu.memory_space<semaphore_mem>>
      %dma_start3A_156 = arith.constant 0 : i32
      %dma_start3A_157 = tpu.memref_slice %arg8[%run_scoped3A_7, %dma_start3A_156] : memref<4x128xi32, #tpu.memory_space<vmem>> -> memref<1x128xi32, #tpu.memory_space<vmem>>
      %dma_start3A_158 = tpu.memref_squeeze %dma_start3A_157 : memref<1x128xi32, #tpu.memory_space<vmem>> -> memref<128xi32, #tpu.memory_space<vmem>>
      %dma_start3A_159 = tpu.memref_slice %arg3[%add3A_6] : memref<16384xi32, #tpu.memory_space<hbm>> -> memref<128xi32, #tpu.memory_space<hbm>>
      %dma_start3A_160 = arith.constant 0 : i32
      %dma_start3A_161 = tpu.memref_slice %arg8[%run_scoped3A_7, %dma_start3A_160] : memref<4x128xi32, #tpu.memory_space<vmem>> -> memref<1x128xi32, #tpu.memory_space<vmem>>
      %dma_start3A_162 = tpu.memref_squeeze %dma_start3A_161 : memref<1x128xi32, #tpu.memory_space<vmem>> -> memref<128xi32, #tpu.memory_space<vmem>>
      %dma_start3A_163 = tpu.memref_slice %arg3[%add3A_6] : memref<16384xi32, #tpu.memory_space<hbm>> -> memref<128xi32, #tpu.memory_space<hbm>>
      tpu.enqueue_dma source(%dma_start3A_163 : memref<128xi32, #tpu.memory_space<hbm>>) target(%dma_start3A_162 : memref<128xi32, #tpu.memory_space<vmem>>) target_semaphore(%run_scoped3A_155 : memref<!tpu.dma_semaphore, #tpu.memory_space<semaphore_mem>>)
      %dma_wait3A_164 = arith.constant 0 : i32
      %dma_wait3A_165 = tpu.memref_slice %arg8[%run_scoped3A_7, %dma_wait3A_164] : memref<4x128xi32, #tpu.memory_space<vmem>> -> memref<1x128xi32, #tpu.memory_space<vmem>>
      %dma_wait3A_166 = tpu.memref_squeeze %dma_wait3A_165 : memref<1x128xi32, #tpu.memory_space<vmem>> -> memref<128xi32, #tpu.memory_space<vmem>>
      %dma_wait3A_167 = tpu.memref_slice %arg3[%add3A_6] : memref<16384xi32, #tpu.memory_space<hbm>> -> memref<128xi32, #tpu.memory_space<hbm>>
      %dma_wait3A_168 = arith.constant 0 : i32
      %dma_wait3A_169 = tpu.memref_slice %arg8[%run_scoped3A_7, %dma_wait3A_168] : memref<4x128xi32, #tpu.memory_space<vmem>> -> memref<1x128xi32, #tpu.memory_space<vmem>>
      %dma_wait3A_170 = tpu.memref_squeeze %dma_wait3A_169 : memref<1x128xi32, #tpu.memory_space<vmem>> -> memref<128xi32, #tpu.memory_space<vmem>>
      %dma_wait3A_171 = tpu.memref_slice %arg3[%add3A_6] : memref<16384xi32, #tpu.memory_space<hbm>> -> memref<128xi32, #tpu.memory_space<hbm>>
      tpu.wait_dma2 semaphore(%run_scoped3A_155 : memref<!tpu.dma_semaphore, #tpu.memory_space<semaphore_mem>>) src(%dma_wait3A_171 : memref<128xi32, #tpu.memory_space<hbm>>) dst(%dma_wait3A_170 : memref<128xi32, #tpu.memory_space<vmem>>)
      tpu.yield
    }) : () -> ()
    %add3A_8 = arith.constant 128 : i32
    %add3A_9 = arith.addi %mul3A_2, %add3A_8 : i32
    %run_scoped3A_10 = arith.constant 1 : i32
    "tpu.region"() ({
      %run_scoped3A_155 = tpu.sem_alloc : memref<!tpu.dma_semaphore, #tpu.memory_space<semaphore_mem>>
      %dma_start3A_156 = arith.constant 0 : i32
      %dma_start3A_157 = tpu.memref_slice %arg7[%run_scoped3A_10, %dma_start3A_156] : memref<4x128xi32, #tpu.memory_space<vmem>> -> memref<1x128xi32, #tpu.memory_space<vmem>>
      %dma_start3A_158 = tpu.memref_squeeze %dma_start3A_157 : memref<1x128xi32, #tpu.memory_space<vmem>> -> memref<128xi32, #tpu.memory_space<vmem>>
      %dma_start3A_159 = tpu.memref_slice %arg2[%add3A_9] : memref<16384xi32, #tpu.memory_space<hbm>> -> memref<128xi32, #tpu.memory_space<hbm>>
      %dma_start3A_160 = arith.constant 0 : i32
      %dma_start3A_161 = tpu.memref_slice %arg7[%run_scoped3A_10, %dma_start3A_160] : memref<4x128xi32, #tpu.memory_space<vmem>> -> memref<1x128xi32, #tpu.memory_space<vmem>>
      %dma_start3A_162 = tpu.memref_squeeze %dma_start3A_161 : memref<1x128xi32, #tpu.memory_space<vmem>> -> memref<128xi32, #tpu.memory_space<vmem>>
      %dma_start3A_163 = tpu.memref_slice %arg2[%add3A_9] : memref<16384xi32, #tpu.memory_space<hbm>> -> memref<128xi32, #tpu.memory_space<hbm>>
      tpu.enqueue_dma source(%dma_start3A_163 : memref<128xi32, #tpu.memory_space<hbm>>) target(%dma_start3A_162 : memref<128xi32, #tpu.memory_space<vmem>>) target_semaphore(%run_scoped3A_155 : memref<!tpu.dma_semaphore, #tpu.memory_space<semaphore_mem>>)
      %dma_wait3A_164 = arith.constant 0 : i32
      %dma_wait3A_165 = tpu.memref_slice %arg7[%run_scoped3A_10, %dma_wait3A_164] : memref<4x128xi32, #tpu.memory_space<vmem>> -> memref<1x128xi32, #tpu.memory_space<vmem>>
      %dma_wait3A_166 = tpu.memref_squeeze %dma_wait3A_165 : memref<1x128xi32, #tpu.memory_space<vmem>> -> memref<128xi32, #tpu.memory_space<vmem>>
      %dma_wait3A_167 = tpu.memref_slice %arg2[%add3A_9] : memref<16384xi32, #tpu.memory_space<hbm>> -> memref<128xi32, #tpu.memory_space<hbm>>
      %dma_wait3A_168 = arith.constant 0 : i32
      %dma_wait3A_169 = tpu.memref_slice %arg7[%run_scoped3A_10, %dma_wait3A_168] : memref<4x128xi32, #tpu.memory_space<vmem>> -> memref<1x128xi32, #tpu.memory_space<vmem>>
      %dma_wait3A_170 = tpu.memref_squeeze %dma_wait3A_169 : memref<1x128xi32, #tpu.memory_space<vmem>> -> memref<128xi32, #tpu.memory_space<vmem>>
      %dma_wait3A_171 = tpu.memref_slice %arg2[%add3A_9] : memref<16384xi32, #tpu.memory_space<hbm>> -> memref<128xi32, #tpu.memory_space<hbm>>
      tpu.wait_dma2 semaphore(%run_scoped3A_155 : memref<!tpu.dma_semaphore, #tpu.memory_space<semaphore_mem>>) src(%dma_wait3A_171 : memref<128xi32, #tpu.memory_space<hbm>>) dst(%dma_wait3A_170 : memref<128xi32, #tpu.memory_space<vmem>>)
      tpu.yield
    }) : () -> ()
    %add3A_11 = arith.constant 128 : i32
    %add3A_12 = arith.addi %mul3A_2, %add3A_11 : i32
    %run_scoped3A_13 = arith.constant 1 : i32
    "tpu.region"() ({
      %run_scoped3A_155 = tpu.sem_alloc : memref<!tpu.dma_semaphore, #tpu.memory_space<semaphore_mem>>
      %dma_start3A_156 = arith.constant 0 : i32
      %dma_start3A_157 = tpu.memref_slice %arg8[%run_scoped3A_13, %dma_start3A_156] : memref<4x128xi32, #tpu.memory_space<vmem>> -> memref<1x128xi32, #tpu.memory_space<vmem>>
      %dma_start3A_158 = tpu.memref_squeeze %dma_start3A_157 : memref<1x128xi32, #tpu.memory_space<vmem>> -> memref<128xi32, #tpu.memory_space<vmem>>
      %dma_start3A_159 = tpu.memref_slice %arg3[%add3A_12] : memref<16384xi32, #tpu.memory_space<hbm>> -> memref<128xi32, #tpu.memory_space<hbm>>
      %dma_start3A_160 = arith.constant 0 : i32
      %dma_start3A_161 = tpu.memref_slice %arg8[%run_scoped3A_13, %dma_start3A_160] : memref<4x128xi32, #tpu.memory_space<vmem>> -> memref<1x128xi32, #tpu.memory_space<vmem>>
      %dma_start3A_162 = tpu.memref_squeeze %dma_start3A_161 : memref<1x128xi32, #tpu.memory_space<vmem>> -> memref<128xi32, #tpu.memory_space<vmem>>
      %dma_start3A_163 = tpu.memref_slice %arg3[%add3A_12] : memref<16384xi32, #tpu.memory_space<hbm>> -> memref<128xi32, #tpu.memory_space<hbm>>
      tpu.enqueue_dma source(%dma_start3A_163 : memref<128xi32, #tpu.memory_space<hbm>>) target(%dma_start3A_162 : memref<128xi32, #tpu.memory_space<vmem>>) target_semaphore(%run_scoped3A_155 : memref<!tpu.dma_semaphore, #tpu.memory_space<semaphore_mem>>)
      %dma_wait3A_164 = arith.constant 0 : i32
      %dma_wait3A_165 = tpu.memref_slice %arg8[%run_scoped3A_13, %dma_wait3A_164] : memref<4x128xi32, #tpu.memory_space<vmem>> -> memref<1x128xi32, #tpu.memory_space<vmem>>
      %dma_wait3A_166 = tpu.memref_squeeze %dma_wait3A_165 : memref<1x128xi32, #tpu.memory_space<vmem>> -> memref<128xi32, #tpu.memory_space<vmem>>
      %dma_wait3A_167 = tpu.memref_slice %arg3[%add3A_12] : memref<16384xi32, #tpu.memory_space<hbm>> -> memref<128xi32, #tpu.memory_space<hbm>>
      %dma_wait3A_168 = arith.constant 0 : i32
      %dma_wait3A_169 = tpu.memref_slice %arg8[%run_scoped3A_13, %dma_wait3A_168] : memref<4x128xi32, #tpu.memory_space<vmem>> -> memref<1x128xi32, #tpu.memory_space<vmem>>
      %dma_wait3A_170 = tpu.memref_squeeze %dma_wait3A_169 : memref<1x128xi32, #tpu.memory_space<vmem>> -> memref<128xi32, #tpu.memory_space<vmem>>
      %dma_wait3A_171 = tpu.memref_slice %arg3[%add3A_12] : memref<16384xi32, #tpu.memory_space<hbm>> -> memref<128xi32, #tpu.memory_space<hbm>>
      tpu.wait_dma2 semaphore(%run_scoped3A_155 : memref<!tpu.dma_semaphore, #tpu.memory_space<semaphore_mem>>) src(%dma_wait3A_171 : memref<128xi32, #tpu.memory_space<hbm>>) dst(%dma_wait3A_170 : memref<128xi32, #tpu.memory_space<vmem>>)
      tpu.yield
    }) : () -> ()
    %add3A_14 = arith.constant 256 : i32
    %add3A_15 = arith.addi %mul3A_2, %add3A_14 : i32
    %run_scoped3A_16 = arith.constant 2 : i32
    "tpu.region"() ({
      %run_scoped3A_155 = tpu.sem_alloc : memref<!tpu.dma_semaphore, #tpu.memory_space<semaphore_mem>>
      %dma_start3A_156 = arith.constant 0 : i32
      %dma_start3A_157 = tpu.memref_slice %arg7[%run_scoped3A_16, %dma_start3A_156] : memref<4x128xi32, #tpu.memory_space<vmem>> -> memref<1x128xi32, #tpu.memory_space<vmem>>
      %dma_start3A_158 = tpu.memref_squeeze %dma_start3A_157 : memref<1x128xi32, #tpu.memory_space<vmem>> -> memref<128xi32, #tpu.memory_space<vmem>>
      %dma_start3A_159 = tpu.memref_slice %arg2[%add3A_15] : memref<16384xi32, #tpu.memory_space<hbm>> -> memref<128xi32, #tpu.memory_space<hbm>>
      %dma_start3A_160 = arith.constant 0 : i32
      %dma_start3A_161 = tpu.memref_slice %arg7[%run_scoped3A_16, %dma_start3A_160] : memref<4x128xi32, #tpu.memory_space<vmem>> -> memref<1x128xi32, #tpu.memory_space<vmem>>
      %dma_start3A_162 = tpu.memref_squeeze %dma_start3A_161 : memref<1x128xi32, #tpu.memory_space<vmem>> -> memref<128xi32, #tpu.memory_space<vmem>>
      %dma_start3A_163 = tpu.memref_slice %arg2[%add3A_15] : memref<16384xi32, #tpu.memory_space<hbm>> -> memref<128xi32, #tpu.memory_space<hbm>>
      tpu.enqueue_dma source(%dma_start3A_163 : memref<128xi32, #tpu.memory_space<hbm>>) target(%dma_start3A_162 : memref<128xi32, #tpu.memory_space<vmem>>) target_semaphore(%run_scoped3A_155 : memref<!tpu.dma_semaphore, #tpu.memory_space<semaphore_mem>>)
      %dma_wait3A_164 = arith.constant 0 : i32
      %dma_wait3A_165 = tpu.memref_slice %arg7[%run_scoped3A_16, %dma_wait3A_164] : memref<4x128xi32, #tpu.memory_space<vmem>> -> memref<1x128xi32, #tpu.memory_space<vmem>>
      %dma_wait3A_166 = tpu.memref_squeeze %dma_wait3A_165 : memref<1x128xi32, #tpu.memory_space<vmem>> -> memref<128xi32, #tpu.memory_space<vmem>>
      %dma_wait3A_167 = tpu.memref_slice %arg2[%add3A_15] : memref<16384xi32, #tpu.memory_space<hbm>> -> memref<128xi32, #tpu.memory_space<hbm>>
      %dma_wait3A_168 = arith.constant 0 : i32
      %dma_wait3A_169 = tpu.memref_slice %arg7[%run_scoped3A_16, %dma_wait3A_168] : memref<4x128xi32, #tpu.memory_space<vmem>> -> memref<1x128xi32, #tpu.memory_space<vmem>>
      %dma_wait3A_170 = tpu.memref_squeeze %dma_wait3A_169 : memref<1x128xi32, #tpu.memory_space<vmem>> -> memref<128xi32, #tpu.memory_space<vmem>>
      %dma_wait3A_171 = tpu.memref_slice %arg2[%add3A_15] : memref<16384xi32, #tpu.memory_space<hbm>> -> memref<128xi32, #tpu.memory_space<hbm>>
      tpu.wait_dma2 semaphore(%run_scoped3A_155 : memref<!tpu.dma_semaphore, #tpu.memory_space<semaphore_mem>>) src(%dma_wait3A_171 : memref<128xi32, #tpu.memory_space<hbm>>) dst(%dma_wait3A_170 : memref<128xi32, #tpu.memory_space<vmem>>)
      tpu.yield
    }) : () -> ()
    %add3A_17 = arith.constant 256 : i32
    %add3A_18 = arith.addi %mul3A_2, %add3A_17 : i32
    %run_scoped3A_19 = arith.constant 2 : i32
    "tpu.region"() ({
      %run_scoped3A_155 = tpu.sem_alloc : memref<!tpu.dma_semaphore, #tpu.memory_space<semaphore_mem>>
      %dma_start3A_156 = arith.constant 0 : i32
      %dma_start3A_157 = tpu.memref_slice %arg8[%run_scoped3A_19, %dma_start3A_156] : memref<4x128xi32, #tpu.memory_space<vmem>> -> memref<1x128xi32, #tpu.memory_space<vmem>>
      %dma_start3A_158 = tpu.memref_squeeze %dma_start3A_157 : memref<1x128xi32, #tpu.memory_space<vmem>> -> memref<128xi32, #tpu.memory_space<vmem>>
      %dma_start3A_159 = tpu.memref_slice %arg3[%add3A_18] : memref<16384xi32, #tpu.memory_space<hbm>> -> memref<128xi32, #tpu.memory_space<hbm>>
      %dma_start3A_160 = arith.constant 0 : i32
      %dma_start3A_161 = tpu.memref_slice %arg8[%run_scoped3A_19, %dma_start3A_160] : memref<4x128xi32, #tpu.memory_space<vmem>> -> memref<1x128xi32, #tpu.memory_space<vmem>>
      %dma_start3A_162 = tpu.memref_squeeze %dma_start3A_161 : memref<1x128xi32, #tpu.memory_space<vmem>> -> memref<128xi32, #tpu.memory_space<vmem>>
      %dma_start3A_163 = tpu.memref_slice %arg3[%add3A_18] : memref<16384xi32, #tpu.memory_space<hbm>> -> memref<128xi32, #tpu.memory_space<hbm>>
      tpu.enqueue_dma source(%dma_start3A_163 : memref<128xi32, #tpu.memory_space<hbm>>) target(%dma_start3A_162 : memref<128xi32, #tpu.memory_space<vmem>>) target_semaphore(%run_scoped3A_155 : memref<!tpu.dma_semaphore, #tpu.memory_space<semaphore_mem>>)
      %dma_wait3A_164 = arith.constant 0 : i32
      %dma_wait3A_165 = tpu.memref_slice %arg8[%run_scoped3A_19, %dma_wait3A_164] : memref<4x128xi32, #tpu.memory_space<vmem>> -> memref<1x128xi32, #tpu.memory_space<vmem>>
      %dma_wait3A_166 = tpu.memref_squeeze %dma_wait3A_165 : memref<1x128xi32, #tpu.memory_space<vmem>> -> memref<128xi32, #tpu.memory_space<vmem>>
      %dma_wait3A_167 = tpu.memref_slice %arg3[%add3A_18] : memref<16384xi32, #tpu.memory_space<hbm>> -> memref<128xi32, #tpu.memory_space<hbm>>
      %dma_wait3A_168 = arith.constant 0 : i32
      %dma_wait3A_169 = tpu.memref_slice %arg8[%run_scoped3A_19, %dma_wait3A_168] : memref<4x128xi32, #tpu.memory_space<vmem>> -> memref<1x128xi32, #tpu.memory_space<vmem>>
      %dma_wait3A_170 = tpu.memref_squeeze %dma_wait3A_169 : memref<1x128xi32, #tpu.memory_space<vmem>> -> memref<128xi32, #tpu.memory_space<vmem>>
      %dma_wait3A_171 = tpu.memref_slice %arg3[%add3A_18] : memref<16384xi32, #tpu.memory_space<hbm>> -> memref<128xi32, #tpu.memory_space<hbm>>
      tpu.wait_dma2 semaphore(%run_scoped3A_155 : memref<!tpu.dma_semaphore, #tpu.memory_space<semaphore_mem>>) src(%dma_wait3A_171 : memref<128xi32, #tpu.memory_space<hbm>>) dst(%dma_wait3A_170 : memref<128xi32, #tpu.memory_space<vmem>>)
      tpu.yield
    }) : () -> ()
    %add3A_20 = arith.constant 384 : i32
    %add3A_21 = arith.addi %mul3A_2, %add3A_20 : i32
    %run_scoped3A_22 = arith.constant 3 : i32
    "tpu.region"() ({
      %run_scoped3A_155 = tpu.sem_alloc : memref<!tpu.dma_semaphore, #tpu.memory_space<semaphore_mem>>
      %dma_start3A_156 = arith.constant 0 : i32
      %dma_start3A_157 = tpu.memref_slice %arg7[%run_scoped3A_22, %dma_start3A_156] : memref<4x128xi32, #tpu.memory_space<vmem>> -> memref<1x128xi32, #tpu.memory_space<vmem>>
      %dma_start3A_158 = tpu.memref_squeeze %dma_start3A_157 : memref<1x128xi32, #tpu.memory_space<vmem>> -> memref<128xi32, #tpu.memory_space<vmem>>
      %dma_start3A_159 = tpu.memref_slice %arg2[%add3A_21] : memref<16384xi32, #tpu.memory_space<hbm>> -> memref<128xi32, #tpu.memory_space<hbm>>
      %dma_start3A_160 = arith.constant 0 : i32
      %dma_start3A_161 = tpu.memref_slice %arg7[%run_scoped3A_22, %dma_start3A_160] : memref<4x128xi32, #tpu.memory_space<vmem>> -> memref<1x128xi32, #tpu.memory_space<vmem>>
      %dma_start3A_162 = tpu.memref_squeeze %dma_start3A_161 : memref<1x128xi32, #tpu.memory_space<vmem>> -> memref<128xi32, #tpu.memory_space<vmem>>
      %dma_start3A_163 = tpu.memref_slice %arg2[%add3A_21] : memref<16384xi32, #tpu.memory_space<hbm>> -> memref<128xi32, #tpu.memory_space<hbm>>
      tpu.enqueue_dma source(%dma_start3A_163 : memref<128xi32, #tpu.memory_space<hbm>>) target(%dma_start3A_162 : memref<128xi32, #tpu.memory_space<vmem>>) target_semaphore(%run_scoped3A_155 : memref<!tpu.dma_semaphore, #tpu.memory_space<semaphore_mem>>)
      %dma_wait3A_164 = arith.constant 0 : i32
      %dma_wait3A_165 = tpu.memref_slice %arg7[%run_scoped3A_22, %dma_wait3A_164] : memref<4x128xi32, #tpu.memory_space<vmem>> -> memref<1x128xi32, #tpu.memory_space<vmem>>
      %dma_wait3A_166 = tpu.memref_squeeze %dma_wait3A_165 : memref<1x128xi32, #tpu.memory_space<vmem>> -> memref<128xi32, #tpu.memory_space<vmem>>
      %dma_wait3A_167 = tpu.memref_slice %arg2[%add3A_21] : memref<16384xi32, #tpu.memory_space<hbm>> -> memref<128xi32, #tpu.memory_space<hbm>>
      %dma_wait3A_168 = arith.constant 0 : i32
      %dma_wait3A_169 = tpu.memref_slice %arg7[%run_scoped3A_22, %dma_wait3A_168] : memref<4x128xi32, #tpu.memory_space<vmem>> -> memref<1x128xi32, #tpu.memory_space<vmem>>
      %dma_wait3A_170 = tpu.memref_squeeze %dma_wait3A_169 : memref<1x128xi32, #tpu.memory_space<vmem>> -> memref<128xi32, #tpu.memory_space<vmem>>
      %dma_wait3A_171 = tpu.memref_slice %arg2[%add3A_21] : memref<16384xi32, #tpu.memory_space<hbm>> -> memref<128xi32, #tpu.memory_space<hbm>>
      tpu.wait_dma2 semaphore(%run_scoped3A_155 : memref<!tpu.dma_semaphore, #tpu.memory_space<semaphore_mem>>) src(%dma_wait3A_171 : memref<128xi32, #tpu.memory_space<hbm>>) dst(%dma_wait3A_170 : memref<128xi32, #tpu.memory_space<vmem>>)
      tpu.yield
    }) : () -> ()
    %add3A_23 = arith.constant 384 : i32
    %add3A_24 = arith.addi %mul3A_2, %add3A_23 : i32
    %run_scoped3A_25 = arith.constant 3 : i32
    "tpu.region"() ({
      %run_scoped3A_155 = tpu.sem_alloc : memref<!tpu.dma_semaphore, #tpu.memory_space<semaphore_mem>>
      %dma_start3A_156 = arith.constant 0 : i32
      %dma_start3A_157 = tpu.memref_slice %arg8[%run_scoped3A_25, %dma_start3A_156] : memref<4x128xi32, #tpu.memory_space<vmem>> -> memref<1x128xi32, #tpu.memory_space<vmem>>
      %dma_start3A_158 = tpu.memref_squeeze %dma_start3A_157 : memref<1x128xi32, #tpu.memory_space<vmem>> -> memref<128xi32, #tpu.memory_space<vmem>>
      %dma_start3A_159 = tpu.memref_slice %arg3[%add3A_24] : memref<16384xi32, #tpu.memory_space<hbm>> -> memref<128xi32, #tpu.memory_space<hbm>>
      %dma_start3A_160 = arith.constant 0 : i32
      %dma_start3A_161 = tpu.memref_slice %arg8[%run_scoped3A_25, %dma_start3A_160] : memref<4x128xi32, #tpu.memory_space<vmem>> -> memref<1x128xi32, #tpu.memory_space<vmem>>
      %dma_start3A_162 = tpu.memref_squeeze %dma_start3A_161 : memref<1x128xi32, #tpu.memory_space<vmem>> -> memref<128xi32, #tpu.memory_space<vmem>>
      %dma_start3A_163 = tpu.memref_slice %arg3[%add3A_24] : memref<16384xi32, #tpu.memory_space<hbm>> -> memref<128xi32, #tpu.memory_space<hbm>>
      tpu.enqueue_dma source(%dma_start3A_163 : memref<128xi32, #tpu.memory_space<hbm>>) target(%dma_start3A_162 : memref<128xi32, #tpu.memory_space<vmem>>) target_semaphore(%run_scoped3A_155 : memref<!tpu.dma_semaphore, #tpu.memory_space<semaphore_mem>>)
      %dma_wait3A_164 = arith.constant 0 : i32
      %dma_wait3A_165 = tpu.memref_slice %arg8[%run_scoped3A_25, %dma_wait3A_164] : memref<4x128xi32, #tpu.memory_space<vmem>> -> memref<1x128xi32, #tpu.memory_space<vmem>>
      %dma_wait3A_166 = tpu.memref_squeeze %dma_wait3A_165 : memref<1x128xi32, #tpu.memory_space<vmem>> -> memref<128xi32, #tpu.memory_space<vmem>>
      %dma_wait3A_167 = tpu.memref_slice %arg3[%add3A_24] : memref<16384xi32, #tpu.memory_space<hbm>> -> memref<128xi32, #tpu.memory_space<hbm>>
      %dma_wait3A_168 = arith.constant 0 : i32
      %dma_wait3A_169 = tpu.memref_slice %arg8[%run_scoped3A_25, %dma_wait3A_168] : memref<4x128xi32, #tpu.memory_space<vmem>> -> memref<1x128xi32, #tpu.memory_space<vmem>>
      %dma_wait3A_170 = tpu.memref_squeeze %dma_wait3A_169 : memref<1x128xi32, #tpu.memory_space<vmem>> -> memref<128xi32, #tpu.memory_space<vmem>>
      %dma_wait3A_171 = tpu.memref_slice %arg3[%add3A_24] : memref<16384xi32, #tpu.memory_space<hbm>> -> memref<128xi32, #tpu.memory_space<hbm>>
      tpu.wait_dma2 semaphore(%run_scoped3A_155 : memref<!tpu.dma_semaphore, #tpu.memory_space<semaphore_mem>>) src(%dma_wait3A_171 : memref<128xi32, #tpu.memory_space<hbm>>) dst(%dma_wait3A_170 : memref<128xi32, #tpu.memory_space<vmem>>)
      tpu.yield
    }) : () -> ()
    %dma_start3A = arith.constant 0 : i32
    %dma_start3A_26 = arith.constant 0 : i32
    %dma_start3A_27 = tpu.memref_slice %arg7[%dma_start3A, %dma_start3A_26] : memref<4x128xi32, #tpu.memory_space<vmem>> -> memref<1x128xi32, #tpu.memory_space<vmem>>
    %dma_start3A_28 = tpu.memref_squeeze %dma_start3A_27 : memref<1x128xi32, #tpu.memory_space<vmem>> -> memref<128xi32, #tpu.memory_space<vmem>>
    %dma_start3A_29 = arith.constant 0 : i32
    %dma_start3A_30 = arith.constant 0 : i32
    %dma_start3A_31 = tpu.memref_slice %arg4[%dma_start3A_29, %dma_start3A_30] : memref<1000000x128xf32, #tpu.memory_space<hbm>> -> memref<1000000x128xf32, #tpu.memory_space<hbm>>
    tpu.enqueue_indirect_dma source(%dma_start3A_31 : memref<1000000x128xf32, #tpu.memory_space<hbm>>) target(%arg9 : memref<128x128xf32, #tpu.memory_space<vmem>>) offsets(%dma_start3A_28 : memref<128xi32, #tpu.memory_space<vmem>>) semaphore(%arg12 : memref<!tpu.dma_semaphore, #tpu.memory_space<semaphore_mem>>)
    %dma_start3A_32 = arith.constant 0 : i32
    %dma_start3A_33 = arith.constant 0 : i32
    %dma_start3A_34 = tpu.memref_slice %arg8[%dma_start3A_32, %dma_start3A_33] : memref<4x128xi32, #tpu.memory_space<vmem>> -> memref<1x128xi32, #tpu.memory_space<vmem>>
    %dma_start3A_35 = tpu.memref_squeeze %dma_start3A_34 : memref<1x128xi32, #tpu.memory_space<vmem>> -> memref<128xi32, #tpu.memory_space<vmem>>
    %dma_start3A_36 = arith.constant 0 : i32
    %dma_start3A_37 = arith.constant 0 : i32
    %dma_start3A_38 = tpu.memref_slice %arg5[%dma_start3A_36, %dma_start3A_37] : memref<100000x128xf32, #tpu.memory_space<hbm>> -> memref<100000x128xf32, #tpu.memory_space<hbm>>
    tpu.enqueue_indirect_dma source(%dma_start3A_38 : memref<100000x128xf32, #tpu.memory_space<hbm>>) target(%arg10 : memref<128x128xf32, #tpu.memory_space<vmem>>) offsets(%dma_start3A_35 : memref<128xi32, #tpu.memory_space<vmem>>) semaphore(%arg12 : memref<!tpu.dma_semaphore, #tpu.memory_space<semaphore_mem>>)
    %dma_wait3A = arith.constant 0 : i32
    %dma_wait3A_39 = arith.constant 0 : i32
    %dma_wait3A_40 = tpu.memref_slice %arg7[%dma_wait3A, %dma_wait3A_39] : memref<4x128xi32, #tpu.memory_space<vmem>> -> memref<1x128xi32, #tpu.memory_space<vmem>>
    %dma_wait3A_41 = tpu.memref_squeeze %dma_wait3A_40 : memref<1x128xi32, #tpu.memory_space<vmem>> -> memref<128xi32, #tpu.memory_space<vmem>>
    %dma_wait3A_42 = arith.constant 0 : i32
    %dma_wait3A_43 = arith.constant 0 : i32
    %dma_wait3A_44 = tpu.memref_slice %arg4[%dma_wait3A_42, %dma_wait3A_43] : memref<1000000x128xf32, #tpu.memory_space<hbm>> -> memref<1000000x128xf32, #tpu.memory_space<hbm>>
    tpu.wait_indirect_dma semaphore(%arg12 : memref<!tpu.dma_semaphore, #tpu.memory_space<semaphore_mem>>) src(%dma_wait3A_44 : memref<1000000x128xf32, #tpu.memory_space<hbm>>) dst(%arg9 : memref<128x128xf32, #tpu.memory_space<vmem>>)
    %dma_wait3A_45 = arith.constant 0 : i32
    %dma_wait3A_46 = arith.constant 0 : i32
    %dma_wait3A_47 = tpu.memref_slice %arg8[%dma_wait3A_45, %dma_wait3A_46] : memref<4x128xi32, #tpu.memory_space<vmem>> -> memref<1x128xi32, #tpu.memory_space<vmem>>
    %dma_wait3A_48 = tpu.memref_squeeze %dma_wait3A_47 : memref<1x128xi32, #tpu.memory_space<vmem>> -> memref<128xi32, #tpu.memory_space<vmem>>
    %dma_wait3A_49 = arith.constant 0 : i32
    %dma_wait3A_50 = arith.constant 0 : i32
    %dma_wait3A_51 = tpu.memref_slice %arg5[%dma_wait3A_49, %dma_wait3A_50] : memref<100000x128xf32, #tpu.memory_space<hbm>> -> memref<100000x128xf32, #tpu.memory_space<hbm>>
    tpu.wait_indirect_dma semaphore(%arg12 : memref<!tpu.dma_semaphore, #tpu.memory_space<semaphore_mem>>) src(%dma_wait3A_51 : memref<100000x128xf32, #tpu.memory_space<hbm>>) dst(%arg10 : memref<128x128xf32, #tpu.memory_space<vmem>>)
    %scan3A = arith.constant 0 : i32
    %scan3A_52 = arith.constant 128 : i32
    %scan3A_53 = arith.addi %scan3A, %scan3A_52 : i32
    %scan3A_54 = arith.constant 1 : i32
    scf.for %scan3A_155 = %scan3A to %scan3A_53 step %scan3A_54  : i32 {
      %mul3A_156 = arith.constant 1 : i32
      %mul3A_157 = arith.muli %scan3A_155, %mul3A_156 : i32
      %add3A_158 = arith.constant 0 : i32
      %add3A_159 = arith.addi %add3A_158, %mul3A_157 : i32
      %add3A_160 = arith.constant 0 : i32
      %add3A_161 = arith.addi %add3A_160, %add3A_159 : i32
      %get3A = arith.index_cast %add3A_159 : i32 to index
      %get3A_162 = arith.constant 0 : index
      %get3A_163 = tpu.vector_load %arg9[%get3A, %get3A_162] {strides = array<i32>} : memref<128x128xf32, #tpu.memory_space<vmem>>, vector<1x16xf32>,
      %get3A_164 = vector.shape_cast %get3A_163 : vector<1x16xf32> to vector<16xf32>
      %swap3A = arith.index_cast %add3A_161 : i32 to index
      %swap3A_165 = arith.constant 0 : index
      %swap3A_166 = tpu.vector_load %arg11[%swap3A, %swap3A_165] {strides = array<i32>} : memref<512x48xf32, #tpu.memory_space<vmem>>, vector<1x16xf32>,
      %swap3A_167 = vector.shape_cast %swap3A_166 : vector<1x16xf32> to vector<16xf32>
      %swap3A_168 = vector.shape_cast %get3A_164 : vector<16xf32> to vector<1x16xf32>
      tpu.vector_store %arg11[%swap3A, %swap3A_165], %swap3A_168 {strides = array<i32>} : memref<512x48xf32, #tpu.memory_space<vmem>>, vector<1x16xf32>,
      %get3A_169 = arith.index_cast %add3A_159 : i32 to index
      %get3A_170 = arith.constant 15 : index
      %get3A_171 = tpu.vector_load %arg9[%get3A_169, %get3A_170] {strides = array<i32>} : memref<128x128xf32, #tpu.memory_space<vmem>>, vector<1x16xf32>,
      %get3A_172 = vector.shape_cast %get3A_171 : vector<1x16xf32> to vector<16xf32>
      %swap3A_173 = arith.index_cast %add3A_161 : i32 to index
      %swap3A_174 = arith.constant 15 : index
      %swap3A_175 = tpu.vector_load %arg11[%swap3A_173, %swap3A_174] {strides = array<i32>} : memref<512x48xf32, #tpu.memory_space<vmem>>, vector<1x16xf32>,
      %swap3A_176 = vector.shape_cast %swap3A_175 : vector<1x16xf32> to vector<16xf32>
      %swap3A_177 = vector.shape_cast %get3A_172 : vector<16xf32> to vector<1x16xf32>
      tpu.vector_store %arg11[%swap3A_173, %swap3A_174], %swap3A_177 {strides = array<i32>} : memref<512x48xf32, #tpu.memory_space<vmem>>, vector<1x16xf32>,
      %get3A_178 = arith.index_cast %add3A_159 : i32 to index
      %get3A_179 = arith.constant 0 : index
      %get3A_180 = tpu.vector_load %arg10[%get3A_178, %get3A_179] {strides = array<i32>} : memref<128x128xf32, #tpu.memory_space<vmem>>, vector<1x16xf32>,
      %get3A_181 = vector.shape_cast %get3A_180 : vector<1x16xf32> to vector<16xf32>
      %swap3A_182 = arith.index_cast %add3A_161 : i32 to index
      %swap3A_183 = arith.constant 31 : index
      %swap3A_184 = tpu.vector_load %arg11[%swap3A_182, %swap3A_183] {strides = array<i32>} : memref<512x48xf32, #tpu.memory_space<vmem>>, vector<1x16xf32>,
      %swap3A_185 = vector.shape_cast %swap3A_184 : vector<1x16xf32> to vector<16xf32>
      %swap3A_186 = vector.shape_cast %get3A_181 : vector<16xf32> to vector<1x16xf32>
      tpu.vector_store %arg11[%swap3A_182, %swap3A_183], %swap3A_186 {strides = array<i32>} : memref<512x48xf32, #tpu.memory_space<vmem>>, vector<1x16xf32>,
      %get3A_187 = arith.index_cast %add3A_159 : i32 to index
      %get3A_188 = arith.constant 1 : index
      %get3A_189 = tpu.vector_load %arg10[%get3A_187, %get3A_188] {strides = array<i32>} : memref<128x128xf32, #tpu.memory_space<vmem>>, vector<1x16xf32>,
      %get3A_190 = vector.shape_cast %get3A_189 : vector<1x16xf32> to vector<16xf32>
      %swap3A_191 = arith.index_cast %add3A_161 : i32 to index
      %swap3A_192 = arith.constant 32 : index
      %swap3A_193 = tpu.vector_load %arg11[%swap3A_191, %swap3A_192] {strides = array<i32>} : memref<512x48xf32, #tpu.memory_space<vmem>>, vector<1x16xf32>,
      %swap3A_194 = vector.shape_cast %swap3A_193 : vector<1x16xf32> to vector<16xf32>
      %swap3A_195 = vector.shape_cast %get3A_190 : vector<16xf32> to vector<1x16xf32>
      tpu.vector_store %arg11[%swap3A_191, %swap3A_192], %swap3A_195 {strides = array<i32>} : memref<512x48xf32, #tpu.memory_space<vmem>>, vector<1x16xf32>,
    }
    %scan3A_55 = arith.constant 128 : i32
    %dma_start3A_56 = arith.constant 1 : i32
    %dma_start3A_57 = arith.constant 0 : i32
    %dma_start3A_58 = tpu.memref_slice %arg7[%dma_start3A_56, %dma_start3A_57] : memref<4x128xi32, #tpu.memory_space<vmem>> -> memref<1x128xi32, #tpu.memory_space<vmem>>
    %dma_start3A_59 = tpu.memref_squeeze %dma_start3A_58 : memref<1x128xi32, #tpu.memory_space<vmem>> -> memref<128xi32, #tpu.memory_space<vmem>>
    %dma_start3A_60 = arith.constant 0 : i32
    %dma_start3A_61 = arith.constant 0 : i32
    %dma_start3A_62 = tpu.memref_slice %arg4[%dma_start3A_60, %dma_start3A_61] : memref<1000000x128xf32, #tpu.memory_space<hbm>> -> memref<1000000x128xf32, #tpu.memory_space<hbm>>
    tpu.enqueue_indirect_dma source(%dma_start3A_62 : memref<1000000x128xf32, #tpu.memory_space<hbm>>) target(%arg9 : memref<128x128xf32, #tpu.memory_space<vmem>>) offsets(%dma_start3A_59 : memref<128xi32, #tpu.memory_space<vmem>>) semaphore(%arg12 : memref<!tpu.dma_semaphore, #tpu.memory_space<semaphore_mem>>)
    %dma_start3A_63 = arith.constant 1 : i32
    %dma_start3A_64 = arith.constant 0 : i32
    %dma_start3A_65 = tpu.memref_slice %arg8[%dma_start3A_63, %dma_start3A_64] : memref<4x128xi32, #tpu.memory_space<vmem>> -> memref<1x128xi32, #tpu.memory_space<vmem>>
    %dma_start3A_66 = tpu.memref_squeeze %dma_start3A_65 : memref<1x128xi32, #tpu.memory_space<vmem>> -> memref<128xi32, #tpu.memory_space<vmem>>
    %dma_start3A_67 = arith.constant 0 : i32
    %dma_start3A_68 = arith.constant 0 : i32
    %dma_start3A_69 = tpu.memref_slice %arg5[%dma_start3A_67, %dma_start3A_68] : memref<100000x128xf32, #tpu.memory_space<hbm>> -> memref<100000x128xf32, #tpu.memory_space<hbm>>
    tpu.enqueue_indirect_dma source(%dma_start3A_69 : memref<100000x128xf32, #tpu.memory_space<hbm>>) target(%arg10 : memref<128x128xf32, #tpu.memory_space<vmem>>) offsets(%dma_start3A_66 : memref<128xi32, #tpu.memory_space<vmem>>) semaphore(%arg12 : memref<!tpu.dma_semaphore, #tpu.memory_space<semaphore_mem>>)
    %dma_wait3A_70 = arith.constant 1 : i32
    %dma_wait3A_71 = arith.constant 0 : i32
    %dma_wait3A_72 = tpu.memref_slice %arg7[%dma_wait3A_70, %dma_wait3A_71] : memref<4x128xi32, #tpu.memory_space<vmem>> -> memref<1x128xi32, #tpu.memory_space<vmem>>
    %dma_wait3A_73 = tpu.memref_squeeze %dma_wait3A_72 : memref<1x128xi32, #tpu.memory_space<vmem>> -> memref<128xi32, #tpu.memory_space<vmem>>
    %dma_wait3A_74 = arith.constant 0 : i32
    %dma_wait3A_75 = arith.constant 0 : i32
    %dma_wait3A_76 = tpu.memref_slice %arg4[%dma_wait3A_74, %dma_wait3A_75] : memref<1000000x128xf32, #tpu.memory_space<hbm>> -> memref<1000000x128xf32, #tpu.memory_space<hbm>>
    tpu.wait_indirect_dma semaphore(%arg12 : memref<!tpu.dma_semaphore, #tpu.memory_space<semaphore_mem>>) src(%dma_wait3A_76 : memref<1000000x128xf32, #tpu.memory_space<hbm>>) dst(%arg9 : memref<128x128xf32, #tpu.memory_space<vmem>>)
    %dma_wait3A_77 = arith.constant 1 : i32
    %dma_wait3A_78 = arith.constant 0 : i32
    %dma_wait3A_79 = tpu.memref_slice %arg8[%dma_wait3A_77, %dma_wait3A_78] : memref<4x128xi32, #tpu.memory_space<vmem>> -> memref<1x128xi32, #tpu.memory_space<vmem>>
    %dma_wait3A_80 = tpu.memref_squeeze %dma_wait3A_79 : memref<1x128xi32, #tpu.memory_space<vmem>> -> memref<128xi32, #tpu.memory_space<vmem>>
    %dma_wait3A_81 = arith.constant 0 : i32
    %dma_wait3A_82 = arith.constant 0 : i32
    %dma_wait3A_83 = tpu.memref_slice %arg5[%dma_wait3A_81, %dma_wait3A_82] : memref<100000x128xf32, #tpu.memory_space<hbm>> -> memref<100000x128xf32, #tpu.memory_space<hbm>>
    tpu.wait_indirect_dma semaphore(%arg12 : memref<!tpu.dma_semaphore, #tpu.memory_space<semaphore_mem>>) src(%dma_wait3A_83 : memref<100000x128xf32, #tpu.memory_space<hbm>>) dst(%arg10 : memref<128x128xf32, #tpu.memory_space<vmem>>)
    %scan3A_84 = arith.constant 0 : i32
    %scan3A_85 = arith.constant 128 : i32
    %scan3A_86 = arith.addi %scan3A_84, %scan3A_85 : i32
    %scan3A_87 = arith.constant 1 : i32
    scf.for %scan3A_155 = %scan3A_84 to %scan3A_86 step %scan3A_87  : i32 {
      %mul3A_156 = arith.constant 1 : i32
      %mul3A_157 = arith.muli %scan3A_155, %mul3A_156 : i32
      %add3A_158 = arith.constant 0 : i32
      %add3A_159 = arith.addi %add3A_158, %mul3A_157 : i32
      %add3A_160 = arith.constant 128 : i32
      %add3A_161 = arith.addi %add3A_160, %add3A_159 : i32
      %get3A = arith.index_cast %add3A_159 : i32 to index
      %get3A_162 = arith.constant 0 : index
      %get3A_163 = tpu.vector_load %arg9[%get3A, %get3A_162] {strides = array<i32>} : memref<128x128xf32, #tpu.memory_space<vmem>>, vector<1x16xf32>,
      %get3A_164 = vector.shape_cast %get3A_163 : vector<1x16xf32> to vector<16xf32>
      %swap3A = arith.index_cast %add3A_161 : i32 to index
      %swap3A_165 = arith.constant 0 : index
      %swap3A_166 = tpu.vector_load %arg11[%swap3A, %swap3A_165] {strides = array<i32>} : memref<512x48xf32, #tpu.memory_space<vmem>>, vector<1x16xf32>,
      %swap3A_167 = vector.shape_cast %swap3A_166 : vector<1x16xf32> to vector<16xf32>
      %swap3A_168 = vector.shape_cast %get3A_164 : vector<16xf32> to vector<1x16xf32>
      tpu.vector_store %arg11[%swap3A, %swap3A_165], %swap3A_168 {strides = array<i32>} : memref<512x48xf32, #tpu.memory_space<vmem>>, vector<1x16xf32>,
      %get3A_169 = arith.index_cast %add3A_159 : i32 to index
      %get3A_170 = arith.constant 15 : index
      %get3A_171 = tpu.vector_load %arg9[%get3A_169, %get3A_170] {strides = array<i32>} : memref<128x128xf32, #tpu.memory_space<vmem>>, vector<1x16xf32>,
      %get3A_172 = vector.shape_cast %get3A_171 : vector<1x16xf32> to vector<16xf32>
      %swap3A_173 = arith.index_cast %add3A_161 : i32 to index
      %swap3A_174 = arith.constant 15 : index
      %swap3A_175 = tpu.vector_load %arg11[%swap3A_173, %swap3A_174] {strides = array<i32>} : memref<512x48xf32, #tpu.memory_space<vmem>>, vector<1x16xf32>,
      %swap3A_176 = vector.shape_cast %swap3A_175 : vector<1x16xf32> to vector<16xf32>
      %swap3A_177 = vector.shape_cast %get3A_172 : vector<16xf32> to vector<1x16xf32>
      tpu.vector_store %arg11[%swap3A_173, %swap3A_174], %swap3A_177 {strides = array<i32>} : memref<512x48xf32, #tpu.memory_space<vmem>>, vector<1x16xf32>,
      %get3A_178 = arith.index_cast %add3A_159 : i32 to index
      %get3A_179 = arith.constant 0 : index
      %get3A_180 = tpu.vector_load %arg10[%get3A_178, %get3A_179] {strides = array<i32>} : memref<128x128xf32, #tpu.memory_space<vmem>>, vector<1x16xf32>,
      %get3A_181 = vector.shape_cast %get3A_180 : vector<1x16xf32> to vector<16xf32>
      %swap3A_182 = arith.index_cast %add3A_161 : i32 to index
      %swap3A_183 = arith.constant 31 : index
      %swap3A_184 = tpu.vector_load %arg11[%swap3A_182, %swap3A_183] {strides = array<i32>} : memref<512x48xf32, #tpu.memory_space<vmem>>, vector<1x16xf32>,
      %swap3A_185 = vector.shape_cast %swap3A_184 : vector<1x16xf32> to vector<16xf32>
      %swap3A_186 = vector.shape_cast %get3A_181 : vector<16xf32> to vector<1x16xf32>
      tpu.vector_store %arg11[%swap3A_182, %swap3A_183], %swap3A_186 {strides = array<i32>} : memref<512x48xf32, #tpu.memory_space<vmem>>, vector<1x16xf32>,
      %get3A_187 = arith.index_cast %add3A_159 : i32 to index
      %get3A_188 = arith.constant 1 : index
      %get3A_189 = tpu.vector_load %arg10[%get3A_187, %get3A_188] {strides = array<i32>} : memref<128x128xf32, #tpu.memory_space<vmem>>, vector<1x16xf32>,
      %get3A_190 = vector.shape_cast %get3A_189 : vector<1x16xf32> to vector<16xf32>
      %swap3A_191 = arith.index_cast %add3A_161 : i32 to index
      %swap3A_192 = arith.constant 32 : index
      %swap3A_193 = tpu.vector_load %arg11[%swap3A_191, %swap3A_192] {strides = array<i32>} : memref<512x48xf32, #tpu.memory_space<vmem>>, vector<1x16xf32>,
      %swap3A_194 = vector.shape_cast %swap3A_193 : vector<1x16xf32> to vector<16xf32>
      %swap3A_195 = vector.shape_cast %get3A_190 : vector<16xf32> to vector<1x16xf32>
      tpu.vector_store %arg11[%swap3A_191, %swap3A_192], %swap3A_195 {strides = array<i32>} : memref<512x48xf32, #tpu.memory_space<vmem>>, vector<1x16xf32>,
    }
    %scan3A_88 = arith.constant 128 : i32
    %dma_start3A_89 = arith.constant 2 : i32
    %dma_start3A_90 = arith.constant 0 : i32
    %dma_start3A_91 = tpu.memref_slice %arg7[%dma_start3A_89, %dma_start3A_90] : memref<4x128xi32, #tpu.memory_space<vmem>> -> memref<1x128xi32, #tpu.memory_space<vmem>>
    %dma_start3A_92 = tpu.memref_squeeze %dma_start3A_91 : memref<1x128xi32, #tpu.memory_space<vmem>> -> memref<128xi32, #tpu.memory_space<vmem>>
    %dma_start3A_93 = arith.constant 0 : i32
    %dma_start3A_94 = arith.constant 0 : i32
    %dma_start3A_95 = tpu.memref_slice %arg4[%dma_start3A_93, %dma_start3A_94] : memref<1000000x128xf32, #tpu.memory_space<hbm>> -> memref<1000000x128xf32, #tpu.memory_space<hbm>>
    tpu.enqueue_indirect_dma source(%dma_start3A_95 : memref<1000000x128xf32, #tpu.memory_space<hbm>>) target(%arg9 : memref<128x128xf32, #tpu.memory_space<vmem>>) offsets(%dma_start3A_92 : memref<128xi32, #tpu.memory_space<vmem>>) semaphore(%arg12 : memref<!tpu.dma_semaphore, #tpu.memory_space<semaphore_mem>>)
    %dma_start3A_96 = arith.constant 2 : i32
    %dma_start3A_97 = arith.constant 0 : i32
    %dma_start3A_98 = tpu.memref_slice %arg8[%dma_start3A_96, %dma_start3A_97] : memref<4x128xi32, #tpu.memory_space<vmem>> -> memref<1x128xi32, #tpu.memory_space<vmem>>
    %dma_start3A_99 = tpu.memref_squeeze %dma_start3A_98 : memref<1x128xi32, #tpu.memory_space<vmem>> -> memref<128xi32, #tpu.memory_space<vmem>>
    %dma_start3A_100 = arith.constant 0 : i32
    %dma_start3A_101 = arith.constant 0 : i32
    %dma_start3A_102 = tpu.memref_slice %arg5[%dma_start3A_100, %dma_start3A_101] : memref<100000x128xf32, #tpu.memory_space<hbm>> -> memref<100000x128xf32, #tpu.memory_space<hbm>>
    tpu.enqueue_indirect_dma source(%dma_start3A_102 : memref<100000x128xf32, #tpu.memory_space<hbm>>) target(%arg10 : memref<128x128xf32, #tpu.memory_space<vmem>>) offsets(%dma_start3A_99 : memref<128xi32, #tpu.memory_space<vmem>>) semaphore(%arg12 : memref<!tpu.dma_semaphore, #tpu.memory_space<semaphore_mem>>)
    %dma_wait3A_103 = arith.constant 2 : i32
    %dma_wait3A_104 = arith.constant 0 : i32
    %dma_wait3A_105 = tpu.memref_slice %arg7[%dma_wait3A_103, %dma_wait3A_104] : memref<4x128xi32, #tpu.memory_space<vmem>> -> memref<1x128xi32, #tpu.memory_space<vmem>>
    %dma_wait3A_106 = tpu.memref_squeeze %dma_wait3A_105 : memref<1x128xi32, #tpu.memory_space<vmem>> -> memref<128xi32, #tpu.memory_space<vmem>>
    %dma_wait3A_107 = arith.constant 0 : i32
    %dma_wait3A_108 = arith.constant 0 : i32
    %dma_wait3A_109 = tpu.memref_slice %arg4[%dma_wait3A_107, %dma_wait3A_108] : memref<1000000x128xf32, #tpu.memory_space<hbm>> -> memref<1000000x128xf32, #tpu.memory_space<hbm>>
    tpu.wait_indirect_dma semaphore(%arg12 : memref<!tpu.dma_semaphore, #tpu.memory_space<semaphore_mem>>) src(%dma_wait3A_109 : memref<1000000x128xf32, #tpu.memory_space<hbm>>) dst(%arg9 : memref<128x128xf32, #tpu.memory_space<vmem>>)
    %dma_wait3A_110 = arith.constant 2 : i32
    %dma_wait3A_111 = arith.constant 0 : i32
    %dma_wait3A_112 = tpu.memref_slice %arg8[%dma_wait3A_110, %dma_wait3A_111] : memref<4x128xi32, #tpu.memory_space<vmem>> -> memref<1x128xi32, #tpu.memory_space<vmem>>
    %dma_wait3A_113 = tpu.memref_squeeze %dma_wait3A_112 : memref<1x128xi32, #tpu.memory_space<vmem>> -> memref<128xi32, #tpu.memory_space<vmem>>
    %dma_wait3A_114 = arith.constant 0 : i32
    %dma_wait3A_115 = arith.constant 0 : i32
    %dma_wait3A_116 = tpu.memref_slice %arg5[%dma_wait3A_114, %dma_wait3A_115] : memref<100000x128xf32, #tpu.memory_space<hbm>> -> memref<100000x128xf32, #tpu.memory_space<hbm>>
    tpu.wait_indirect_dma semaphore(%arg12 : memref<!tpu.dma_semaphore, #tpu.memory_space<semaphore_mem>>) src(%dma_wait3A_116 : memref<100000x128xf32, #tpu.memory_space<hbm>>) dst(%arg10 : memref<128x128xf32, #tpu.memory_space<vmem>>)
    %scan3A_117 = arith.constant 0 : i32
    %scan3A_118 = arith.constant 128 : i32
    %scan3A_119 = arith.addi %scan3A_117, %scan3A_118 : i32
    %scan3A_120 = arith.constant 1 : i32
    scf.for %scan3A_155 = %scan3A_117 to %scan3A_119 step %scan3A_120  : i32 {
      %mul3A_156 = arith.constant 1 : i32
      %mul3A_157 = arith.muli %scan3A_155, %mul3A_156 : i32
      %add3A_158 = arith.constant 0 : i32
      %add3A_159 = arith.addi %add3A_158, %mul3A_157 : i32
      %add3A_160 = arith.constant 256 : i32
      %add3A_161 = arith.addi %add3A_160, %add3A_159 : i32
      %get3A = arith.index_cast %add3A_159 : i32 to index
      %get3A_162 = arith.constant 0 : index
      %get3A_163 = tpu.vector_load %arg9[%get3A, %get3A_162] {strides = array<i32>} : memref<128x128xf32, #tpu.memory_space<vmem>>, vector<1x16xf32>,
      %get3A_164 = vector.shape_cast %get3A_163 : vector<1x16xf32> to vector<16xf32>
      %swap3A = arith.index_cast %add3A_161 : i32 to index
      %swap3A_165 = arith.constant 0 : index
      %swap3A_166 = tpu.vector_load %arg11[%swap3A, %swap3A_165] {strides = array<i32>} : memref<512x48xf32, #tpu.memory_space<vmem>>, vector<1x16xf32>,
      %swap3A_167 = vector.shape_cast %swap3A_166 : vector<1x16xf32> to vector<16xf32>
      %swap3A_168 = vector.shape_cast %get3A_164 : vector<16xf32> to vector<1x16xf32>
      tpu.vector_store %arg11[%swap3A, %swap3A_165], %swap3A_168 {strides = array<i32>} : memref<512x48xf32, #tpu.memory_space<vmem>>, vector<1x16xf32>,
      %get3A_169 = arith.index_cast %add3A_159 : i32 to index
      %get3A_170 = arith.constant 15 : index
      %get3A_171 = tpu.vector_load %arg9[%get3A_169, %get3A_170] {strides = array<i32>} : memref<128x128xf32, #tpu.memory_space<vmem>>, vector<1x16xf32>,
      %get3A_172 = vector.shape_cast %get3A_171 : vector<1x16xf32> to vector<16xf32>
      %swap3A_173 = arith.index_cast %add3A_161 : i32 to index
      %swap3A_174 = arith.constant 15 : index
      %swap3A_175 = tpu.vector_load %arg11[%swap3A_173, %swap3A_174] {strides = array<i32>} : memref<512x48xf32, #tpu.memory_space<vmem>>, vector<1x16xf32>,
      %swap3A_176 = vector.shape_cast %swap3A_175 : vector<1x16xf32> to vector<16xf32>
      %swap3A_177 = vector.shape_cast %get3A_172 : vector<16xf32> to vector<1x16xf32>
      tpu.vector_store %arg11[%swap3A_173, %swap3A_174], %swap3A_177 {strides = array<i32>} : memref<512x48xf32, #tpu.memory_space<vmem>>, vector<1x16xf32>,
      %get3A_178 = arith.index_cast %add3A_159 : i32 to index
      %get3A_179 = arith.constant 0 : index
      %get3A_180 = tpu.vector_load %arg10[%get3A_178, %get3A_179] {strides = array<i32>} : memref<128x128xf32, #tpu.memory_space<vmem>>, vector<1x16xf32>,
      %get3A_181 = vector.shape_cast %get3A_180 : vector<1x16xf32> to vector<16xf32>
      %swap3A_182 = arith.index_cast %add3A_161 : i32 to index
      %swap3A_183 = arith.constant 31 : index
      %swap3A_184 = tpu.vector_load %arg11[%swap3A_182, %swap3A_183] {strides = array<i32>} : memref<512x48xf32, #tpu.memory_space<vmem>>, vector<1x16xf32>,
      %swap3A_185 = vector.shape_cast %swap3A_184 : vector<1x16xf32> to vector<16xf32>
      %swap3A_186 = vector.shape_cast %get3A_181 : vector<16xf32> to vector<1x16xf32>
      tpu.vector_store %arg11[%swap3A_182, %swap3A_183], %swap3A_186 {strides = array<i32>} : memref<512x48xf32, #tpu.memory_space<vmem>>, vector<1x16xf32>,
      %get3A_187 = arith.index_cast %add3A_159 : i32 to index
      %get3A_188 = arith.constant 1 : index
      %get3A_189 = tpu.vector_load %arg10[%get3A_187, %get3A_188] {strides = array<i32>} : memref<128x128xf32, #tpu.memory_space<vmem>>, vector<1x16xf32>,
      %get3A_190 = vector.shape_cast %get3A_189 : vector<1x16xf32> to vector<16xf32>
      %swap3A_191 = arith.index_cast %add3A_161 : i32 to index
      %swap3A_192 = arith.constant 32 : index
      %swap3A_193 = tpu.vector_load %arg11[%swap3A_191, %swap3A_192] {strides = array<i32>} : memref<512x48xf32, #tpu.memory_space<vmem>>, vector<1x16xf32>,
      %swap3A_194 = vector.shape_cast %swap3A_193 : vector<1x16xf32> to vector<16xf32>
      %swap3A_195 = vector.shape_cast %get3A_190 : vector<16xf32> to vector<1x16xf32>
      tpu.vector_store %arg11[%swap3A_191, %swap3A_192], %swap3A_195 {strides = array<i32>} : memref<512x48xf32, #tpu.memory_space<vmem>>, vector<1x16xf32>,
    }
    %scan3A_121 = arith.constant 128 : i32
    %dma_start3A_122 = arith.constant 3 : i32
    %dma_start3A_123 = arith.constant 0 : i32
    %dma_start3A_124 = tpu.memref_slice %arg7[%dma_start3A_122, %dma_start3A_123] : memref<4x128xi32, #tpu.memory_space<vmem>> -> memref<1x128xi32, #tpu.memory_space<vmem>>
    %dma_start3A_125 = tpu.memref_squeeze %dma_start3A_124 : memref<1x128xi32, #tpu.memory_space<vmem>> -> memref<128xi32, #tpu.memory_space<vmem>>
    %dma_start3A_126 = arith.constant 0 : i32
    %dma_start3A_127 = arith.constant 0 : i32
    %dma_start3A_128 = tpu.memref_slice %arg4[%dma_start3A_126, %dma_start3A_127] : memref<1000000x128xf32, #tpu.memory_space<hbm>> -> memref<1000000x128xf32, #tpu.memory_space<hbm>>
    tpu.enqueue_indirect_dma source(%dma_start3A_128 : memref<1000000x128xf32, #tpu.memory_space<hbm>>) target(%arg9 : memref<128x128xf32, #tpu.memory_space<vmem>>) offsets(%dma_start3A_125 : memref<128xi32, #tpu.memory_space<vmem>>) semaphore(%arg12 : memref<!tpu.dma_semaphore, #tpu.memory_space<semaphore_mem>>)
    %dma_start3A_129 = arith.constant 3 : i32
    %dma_start3A_130 = arith.constant 0 : i32
    %dma_start3A_131 = tpu.memref_slice %arg8[%dma_start3A_129, %dma_start3A_130] : memref<4x128xi32, #tpu.memory_space<vmem>> -> memref<1x128xi32, #tpu.memory_space<vmem>>
    %dma_start3A_132 = tpu.memref_squeeze %dma_start3A_131 : memref<1x128xi32, #tpu.memory_space<vmem>> -> memref<128xi32, #tpu.memory_space<vmem>>
    %dma_start3A_133 = arith.constant 0 : i32
    %dma_start3A_134 = arith.constant 0 : i32
    %dma_start3A_135 = tpu.memref_slice %arg5[%dma_start3A_133, %dma_start3A_134] : memref<100000x128xf32, #tpu.memory_space<hbm>> -> memref<100000x128xf32, #tpu.memory_space<hbm>>
    tpu.enqueue_indirect_dma source(%dma_start3A_135 : memref<100000x128xf32, #tpu.memory_space<hbm>>) target(%arg10 : memref<128x128xf32, #tpu.memory_space<vmem>>) offsets(%dma_start3A_132 : memref<128xi32, #tpu.memory_space<vmem>>) semaphore(%arg12 : memref<!tpu.dma_semaphore, #tpu.memory_space<semaphore_mem>>)
    %dma_wait3A_136 = arith.constant 3 : i32
    %dma_wait3A_137 = arith.constant 0 : i32
    %dma_wait3A_138 = tpu.memref_slice %arg7[%dma_wait3A_136, %dma_wait3A_137] : memref<4x128xi32, #tpu.memory_space<vmem>> -> memref<1x128xi32, #tpu.memory_space<vmem>>
    %dma_wait3A_139 = tpu.memref_squeeze %dma_wait3A_138 : memref<1x128xi32, #tpu.memory_space<vmem>> -> memref<128xi32, #tpu.memory_space<vmem>>
    %dma_wait3A_140 = arith.constant 0 : i32
    %dma_wait3A_141 = arith.constant 0 : i32
    %dma_wait3A_142 = tpu.memref_slice %arg4[%dma_wait3A_140, %dma_wait3A_141] : memref<1000000x128xf32, #tpu.memory_space<hbm>> -> memref<1000000x128xf32, #tpu.memory_space<hbm>>
    tpu.wait_indirect_dma semaphore(%arg12 : memref<!tpu.dma_semaphore, #tpu.memory_space<semaphore_mem>>) src(%dma_wait3A_142 : memref<1000000x128xf32, #tpu.memory_space<hbm>>) dst(%arg9 : memref<128x128xf32, #tpu.memory_space<vmem>>)
    %dma_wait3A_143 = arith.constant 3 : i32
    %dma_wait3A_144 = arith.constant 0 : i32
    %dma_wait3A_145 = tpu.memref_slice %arg8[%dma_wait3A_143, %dma_wait3A_144] : memref<4x128xi32, #tpu.memory_space<vmem>> -> memref<1x128xi32, #tpu.memory_space<vmem>>
    %dma_wait3A_146 = tpu.memref_squeeze %dma_wait3A_145 : memref<1x128xi32, #tpu.memory_space<vmem>> -> memref<128xi32, #tpu.memory_space<vmem>>
    %dma_wait3A_147 = arith.constant 0 : i32
    %dma_wait3A_148 = arith.constant 0 : i32
    %dma_wait3A_149 = tpu.memref_slice %arg5[%dma_wait3A_147, %dma_wait3A_148] : memref<100000x128xf32, #tpu.memory_space<hbm>> -> memref<100000x128xf32, #tpu.memory_space<hbm>>
    tpu.wait_indirect_dma semaphore(%arg12 : memref<!tpu.dma_semaphore, #tpu.memory_space<semaphore_mem>>) src(%dma_wait3A_149 : memref<100000x128xf32, #tpu.memory_space<hbm>>) dst(%arg10 : memref<128x128xf32, #tpu.memory_space<vmem>>)
    %scan3A_150 = arith.constant 0 : i32
    %scan3A_151 = arith.constant 128 : i32
    %scan3A_152 = arith.addi %scan3A_150, %scan3A_151 : i32
    %scan3A_153 = arith.constant 1 : i32
    scf.for %scan3A_155 = %scan3A_150 to %scan3A_152 step %scan3A_153  : i32 {
      %mul3A_156 = arith.constant 1 : i32
      %mul3A_157 = arith.muli %scan3A_155, %mul3A_156 : i32
      %add3A_158 = arith.constant 0 : i32
      %add3A_159 = arith.addi %add3A_158, %mul3A_157 : i32
      %add3A_160 = arith.constant 384 : i32
      %add3A_161 = arith.addi %add3A_160, %add3A_159 : i32
      %get3A = arith.index_cast %add3A_159 : i32 to index
      %get3A_162 = arith.constant 0 : index
      %get3A_163 = tpu.vector_load %arg9[%get3A, %get3A_162] {strides = array<i32>} : memref<128x128xf32, #tpu.memory_space<vmem>>, vector<1x16xf32>,
      %get3A_164 = vector.shape_cast %get3A_163 : vector<1x16xf32> to vector<16xf32>
      %swap3A = arith.index_cast %add3A_161 : i32 to index
      %swap3A_165 = arith.constant 0 : index
      %swap3A_166 = tpu.vector_load %arg11[%swap3A, %swap3A_165] {strides = array<i32>} : memref<512x48xf32, #tpu.memory_space<vmem>>, vector<1x16xf32>,
      %swap3A_167 = vector.shape_cast %swap3A_166 : vector<1x16xf32> to vector<16xf32>
      %swap3A_168 = vector.shape_cast %get3A_164 : vector<16xf32> to vector<1x16xf32>
      tpu.vector_store %arg11[%swap3A, %swap3A_165], %swap3A_168 {strides = array<i32>} : memref<512x48xf32, #tpu.memory_space<vmem>>, vector<1x16xf32>,
      %get3A_169 = arith.index_cast %add3A_159 : i32 to index
      %get3A_170 = arith.constant 15 : index
      %get3A_171 = tpu.vector_load %arg9[%get3A_169, %get3A_170] {strides = array<i32>} : memref<128x128xf32, #tpu.memory_space<vmem>>, vector<1x16xf32>,
      %get3A_172 = vector.shape_cast %get3A_171 : vector<1x16xf32> to vector<16xf32>
      %swap3A_173 = arith.index_cast %add3A_161 : i32 to index
      %swap3A_174 = arith.constant 15 : index
      %swap3A_175 = tpu.vector_load %arg11[%swap3A_173, %swap3A_174] {strides = array<i32>} : memref<512x48xf32, #tpu.memory_space<vmem>>, vector<1x16xf32>,
      %swap3A_176 = vector.shape_cast %swap3A_175 : vector<1x16xf32> to vector<16xf32>
      %swap3A_177 = vector.shape_cast %get3A_172 : vector<16xf32> to vector<1x16xf32>
      tpu.vector_store %arg11[%swap3A_173, %swap3A_174], %swap3A_177 {strides = array<i32>} : memref<512x48xf32, #tpu.memory_space<vmem>>, vector<1x16xf32>,
      %get3A_178 = arith.index_cast %add3A_159 : i32 to index
      %get3A_179 = arith.constant 0 : index
      %get3A_180 = tpu.vector_load %arg10[%get3A_178, %get3A_179] {strides = array<i32>} : memref<128x128xf32, #tpu.memory_space<vmem>>, vector<1x16xf32>,
      %get3A_181 = vector.shape_cast %get3A_180 : vector<1x16xf32> to vector<16xf32>
      %swap3A_182 = arith.index_cast %add3A_161 : i32 to index
      %swap3A_183 = arith.constant 31 : index
      %swap3A_184 = tpu.vector_load %arg11[%swap3A_182, %swap3A_183] {strides = array<i32>} : memref<512x48xf32, #tpu.memory_space<vmem>>, vector<1x16xf32>,
      %swap3A_185 = vector.shape_cast %swap3A_184 : vector<1x16xf32> to vector<16xf32>
      %swap3A_186 = vector.shape_cast %get3A_181 : vector<16xf32> to vector<1x16xf32>
      tpu.vector_store %arg11[%swap3A_182, %swap3A_183], %swap3A_186 {strides = array<i32>} : memref<512x48xf32, #tpu.memory_space<vmem>>, vector<1x16xf32>,
      %get3A_187 = arith.index_cast %add3A_159 : i32 to index
      %get3A_188 = arith.constant 1 : index
      %get3A_189 = tpu.vector_load %arg10[%get3A_187, %get3A_188] {strides = array<i32>} : memref<128x128xf32, #tpu.memory_space<vmem>>, vector<1x16xf32>,
      %get3A_190 = vector.shape_cast %get3A_189 : vector<1x16xf32> to vector<16xf32>
      %swap3A_191 = arith.index_cast %add3A_161 : i32 to index
      %swap3A_192 = arith.constant 32 : index
      %swap3A_193 = tpu.vector_load %arg11[%swap3A_191, %swap3A_192] {strides = array<i32>} : memref<512x48xf32, #tpu.memory_space<vmem>>, vector<1x16xf32>,
      %swap3A_194 = vector.shape_cast %swap3A_193 : vector<1x16xf32> to vector<16xf32>
      %swap3A_195 = vector.shape_cast %get3A_190 : vector<16xf32> to vector<1x16xf32>
      tpu.vector_store %arg11[%swap3A_191, %swap3A_192], %swap3A_195 {strides = array<i32>} : memref<512x48xf32, #tpu.memory_space<vmem>>, vector<1x16xf32>,
    }
    %scan3A_154 = arith.constant 128 : i32
    "tpu.region"() ({
      %run_scoped3A_155 = tpu.sem_alloc : memref<!tpu.dma_semaphore, #tpu.memory_space<semaphore_mem>>
      %dma_start3A_156 = arith.constant 0 : i32
      %dma_start3A_157 = tpu.memref_slice %arg6[%mul3A_2, %dma_start3A_156] : memref<16384x48xf32, #tpu.memory_space<hbm>> -> memref<512x48xf32, #tpu.memory_space<hbm>>
      %dma_start3A_158 = arith.constant 0 : i32
      %dma_start3A_159 = tpu.memref_slice %arg6[%mul3A_2, %dma_start3A_158] : memref<16384x48xf32, #tpu.memory_space<hbm>> -> memref<512x48xf32, #tpu.memory_space<hbm>>
      tpu.enqueue_dma source(%arg11 : memref<512x48xf32, #tpu.memory_space<vmem>>) target(%dma_start3A_159 : memref<512x48xf32, #tpu.memory_space<hbm>>) target_semaphore(%run_scoped3A_155 : memref<!tpu.dma_semaphore, #tpu.memory_space<semaphore_mem>>)
      %dma_wait3A_160 = arith.constant 0 : i32
      %dma_wait3A_161 = tpu.memref_slice %arg6[%mul3A_2, %dma_wait3A_160] : memref<16384x48xf32, #tpu.memory_space<hbm>> -> memref<512x48xf32, #tpu.memory_space<hbm>>
      %dma_wait3A_162 = arith.constant 0 : i32
      %dma_wait3A_163 = tpu.memref_slice %arg6[%mul3A_2, %dma_wait3A_162] : memref<16384x48xf32, #tpu.memory_space<hbm>> -> memref<512x48xf32, #tpu.memory_space<hbm>>
      tpu.wait_dma2 semaphore(%run_scoped3A_155 : memref<!tpu.dma_semaphore, #tpu.memory_space<semaphore_mem>>) src(%arg11 : memref<512x48xf32, #tpu.memory_space<vmem>>) dst(%dma_wait3A_163 : memref<512x48xf32, #tpu.memory_space<hbm>>)
      tpu.yield
    }) : () -> ()
    return
  }
}

</mosaic_0001>

<sc_bundles>
// kernel: kernel.3.cloned.1.call-start
scs
__scs_entry_jumppad:
0x0: {  	(pc) =	sbr.rel $0x88, $3  }
0x1: {  	(tag) =	ssettag $0x0;
	lr =	simm.s32 $0x1  }
0x2: {  	[smem:$0x3F9D] =	sst lr;
	_ =	strace $0xD0000000  }
0x3: {  	_ = 	snop  }
0x4: {  	_ = 	snop  }
0x5: {  	_ = 	snop  }
0x6: {  	_ = 	snop  }
0x7: {  	_ = 	snop  }
__scs_overlays_trampoline_lowered:
0x8: {  	[smem:$0x3FAC] =	sst s0  }
0x9: {  	[smem:$0x3FAD] =	sst s1  }
0xa: {  	[smem:$0x3FAE] =	sst s2  }
0xb: {  	[smem:$0x3FAF] =	sst s3  }
0xc: {  	[smem:$0x3FB0] =	sst s4  }
0xd: {  	[smem:$0x3FB1] =	sst s5  }
0xe: {  	[smem:$0x3FB2] =	sst s6  }
0xf: {  	[smem:$0x3FB3] =	sst s7  }
0x10: {  	[smem:$0x3FB4] =	sst s8  }
0x11: {  	[smem:$0x3FB5] =	sst s9;
	s0 =	simm.s32 @!p0 $0x0  }
0x12: {  	s1 =	sld [smem:$0x3F9B];
	s0 =	simm.s32 @p0 $0x1  }
0x13: {  	[smem:$0x3FB6] =	sst s0;
	s0 =	simm.s32 @!p1 $0x0  }
0x14: {  	s2 =	sld [smem:$0x3F9A];
	s0 =	simm.s32 @p1 $0x1  }
0x15: {  	[smem:$0x3FB7] =	sst s0;
	s0 =	simm.s32 @!p2 $0x0  }
0x16: {  	s3 =	sld [smem:$0x3FDB];
	s0 =	simm.s32 @p2 $0x1  }
0x17: {  	s4 =	simm.s32 $0x1BF5;
	[smem:$0x3FB9] =	sst s0  }
0x18: {  	s0 =	sld [smem:$0x3F9C];
	_ =	swait.ge [sflag:s4], $0x0  }
0x19: {  	s7 =	sld [smem:$0x3F9D]  }
0x1a: {  	s8 =	sadd.s32 $0xFFFFE003, lr  }
0x1b: {  	s9 =	sadd.s32 $0xFFFFFEF7, lr;
	s5 =	simm.s32 $0xFFFFFFFF;
	p2 =	slt.u32 s8, $0xFFFFF086  }
0x1c: {  	p1 =	slt.u32 s9, $0xF7A;
	s5 =	simm.s32 @!p2 $0x0  }
0x1d: {  	s5 =	simm.s32 @p1 $0x1;
	p0 =	seq.s32 s7, s2  }
0x1e: {  	s7 =	smul.u32 @!p0 $0xF7A, s2;
	p2 =	seq.s32 @!p0 s5, $0x0  }
0x1f: {  	s9 =	smul.u32 $0xF7A, s1;
	s8 =	simm.s32 @!p0 $0x1BF5;
	p2 =	por !p2, p0  }
0x20: {  	[sflag:s8] =	ssyncset.s32 @!p0 $0xFFFFF086;
	s6 =	sadd.s32 @!p0 s3, s7;
	s7 =	simm.s32 @!p0 $0x108  }
0x21: {  	s3 =	sadd.s32 s3, s9;
	s6 =	sadd.s32 @!p0 $0x88, s6;
	s7 =	simm.s32 @p2 $0x1082  }
0x22: {  	[simem:s7], [sflag:s8] =	dma.local @!p0 [hbm:s6], $0xF7A  }
0x23: {  	s9 =	sor.u32 $0xD0000000, s2;
	s6 =	simm.s32 $0x108;
	_ =	swait.ge @!p0 [sflag:s8], $0x0  }
0x24: {  	s3 =	sadd.s32 $0x88, s3;
	s6 =	simm.s32 @!p1 $0x1082;
	[sflag:s4] =	ssyncset.s32 $0xFFFFF086  }
0x25: {  	[simem:s6], [sflag:s4] =	dma.local [hbm:s3], $0xF7A  }
0x26: {  	[smem:$0x3F9D] =	sst s1;
	(tag) =	ssettag s2;
	_ =	strace s9  }
0x27: {  	s1 =	sld [smem:$0x3FAD]  }
0x28: {  	s2 =	sld [smem:$0x3FAE]  }
0x29: {  	s4 =	sld [smem:$0x3FB0]  }
0x2a: {  	p0 =	seq.s32 s5, $0x0;
	s5 =	sld [smem:$0x3FB1]  }
0x2b: {  	s6 =	sld [smem:$0x3FB2]  }
0x2c: {  	s7 =	sld [smem:$0x3FB3]  }
0x2d: {  	s3 =	simm.s32 $0x108;
	s8 =	sld [smem:$0x3FB4]  }
0x2e: {  	s3 =	simm.s32 @!p0 $0x1082;
	s9 =	sld [smem:$0x3FB5]  }
0x2f: {  	lr =	sadd.s32 s0, s3;
	s0 =	sld [smem:$0x3FAC]  }
0x30: {  	s3 =	sld [smem:$0x3FAF]  }
0x31: {  	[smem:$0x3FB8] =	sst s10  }
0x32: {  	s10 =	sld [smem:$0x3FB6];
	_ =	sdelay $0x3  }
0x33: {  	p0 =	seq.s32 s10, $0x1;
	s10 =	sld [smem:$0x3FB8];
	_ =	sdelay $0x3  }
0x34: {  	[smem:$0x3FB8] =	sst s10  }
0x35: {  	s10 =	sld [smem:$0x3FB7];
	_ =	sdelay $0x3  }
0x36: {  	p1 =	seq.s32 s10, $0x1;
	s10 =	sld [smem:$0x3FB8];
	_ =	sdelay $0x3  }
0x37: {  	[smem:$0x3FB8] =	sst s10  }
0x38: {  	s10 =	sld [smem:$0x3FB9]  }
0x39: {  	_ = 	snop;
	(pc) =	sbr.ind lr, $3  }
0x3a: {  	_ = 	snop  }
0x3b: {  	_ = 	snop  }
0x3c: {  	p2 =	seq.s32 s10, $0x1;
	s10 =	sld [smem:$0x3FB8]  }
0x3d: {  	_ =	shalt  }
0x3e: {  	_ =	shalt  }
0x3f: {  	_ =	shalt  }
0x40: {  	_ =	shalt  }
0x41: {  	_ =	shalt  }
0x42: {  	_ =	shalt  }
0x43: {  	_ =	shalt  }
0x44: {  	_ =	shalt  }
0x45: {  	_ =	shalt  }
0x46: {  	_ =	shalt  }
0x47: {  	_ =	shalt  }
0x48: {  	_ =	shalt  }
0x49: {  	_ =	shalt  }
0x4a: {  	_ =	shalt  }
0x4b: {  	_ =	shalt  }
0x4c: {  	_ =	shalt  }
0x4d: {  	_ =	shalt  }
0x4e: {  	_ =	shalt  }
0x4f: {  	_ =	shalt  }
0x50: {  	_ =	shalt  }
0x51: {  	_ =	shalt  }
0x52: {  	_ =	shalt  }
0x53: {  	_ =	shalt  }
0x54: {  	_ =	shalt  }
0x55: {  	_ =	shalt  }
0x56: {  	_ =	shalt  }
0x57: {  	_ =	shalt  }
0x58: {  	_ =	shalt  }
0x59: {  	_ =	shalt  }
0x5a: {  	_ =	shalt  }
0x5b: {  	_ =	shalt  }
0x5c: {  	_ =	shalt  }
0x5d: {  	_ =	shalt  }
0x5e: {  	_ =	shalt  }
0x5f: {  	_ =	shalt  }
0x60: {  	_ =	shalt  }
0x61: {  	_ =	shalt  }
0x62: {  	_ =	shalt  }
0x63: {  	_ =	shalt  }
0x64: {  	_ =	shalt  }
0x65: {  	_ =	shalt  }
0x66: {  	_ =	shalt  }
0x67: {  	_ =	shalt  }
0x68: {  	_ =	shalt  }
0x69: {  	_ =	shalt  }
0x6a: {  	_ =	shalt  }
0x6b: {  	_ =	shalt  }
0x6c: {  	_ =	shalt  }
0x6d: {  	_ =	shalt  }
0x6e: {  	_ =	shalt  }
0x6f: {  	_ =	shalt  }
0x70: {  	_ =	shalt  }
0x71: {  	_ =	shalt  }
0x72: {  	_ =	shalt  }
0x73: {  	_ =	shalt  }
0x74: {  	_ =	shalt  }
0x75: {  	_ =	shalt  }
0x76: {  	_ =	shalt  }
0x77: {  	_ =	shalt  }
0x78: {  	_ =	shalt  }
0x79: {  	_ =	shalt  }
0x7a: {  	_ =	shalt  }
0x7b: {  	_ =	shalt  }
0x7c: {  	_ =	shalt  }
0x7d: {  	_ =	shalt  }
0x7e: {  	_ =	shalt  }
0x7f: {  	_ =	shalt  }
0x80: {  	_ =	shalt  }
0x81: {  	_ =	shalt  }
0x82: {  	_ =	shalt  }
0x83: {  	_ =	shalt  }
0x84: {  	_ =	shalt  }
0x85: {  	_ =	shalt  }
0x86: {  	_ =	shalt  }
0x87: {  	_ =	shalt  }
.Lfunc_end0:
.L_simem_size_0:
called_computation_lowered:
.L_overlay_start_0:
0x88: {  	s2 =	sld [smem:$0x3FD9]  }
0x89: {  	s3 =	sld [smem:$0x3FFE];
	_ =	sdelay $0x1  }
0x8a: {  	s1 =	srdreg.scid  }
0x8b: {  	s0 =	sand.u32 $0x1, s1  }
0x8c: {  	s17 =	sshll.u32 s0, $0xA;
	s2 =	sadd.s32 s3, s2  }
0x8d: {  	s2 =	sadd.s32 s2, s17  }
0x8e: {  	[smem:$0x3FC4] =	sst s2  }
0x8f: {  	_ = 	snop  }
0x90: {  	s2 =	sld [smem:$0x3FC9]  }
0x91: {  	s18 =	sld [smem:$0x3FC8];
	(tm) =	ssettm $0x1  }
0x92: {  	s4 =	sld [smem:$0x3FFB];
	_ =	sdelay $0x3  }
0x93: {  	_ =	strace s4  }
0x94: {  	s4 =	sld [smem:$0x3FFC];
	_ =	sdelay $0x3  }
0x95: {  	_ =	strace s4  }
0x96: {  	s4 =	sld [smem:$0x3FFD];
	_ =	sdelay $0x3  }
0x97: {  	_ =	strace s4  }
0x98: {  	_ =	strace $0x8FFFFFFF  }
0x99: {  	s19 =	sld [smem:$0x3FDB];
	_ =	sdelay $0x1  }
0x9a: {  	s5 =	simm.s32 $_scs_section_size  }
0x9b: {  	s6 =	simm.s32 $_size__tile_overlayer_lowered;
	s7 =	simm.s32 $_tile_overlayer_lowered  }
0x9c: {  	s22 =	simm.s32 $0x1BFF;
	s21 =	sshll.u32 s7, $0x1;
	s4 =	sadd.s32 s5, s19  }
0x9d: {  	s8 =	simm.s32 $0x0;
	s20 =	sshll.u32 s6, $0x1;
	s6 =	sadd.s32 s21, s4  }
0x9e: {  	[timem:s8], [sflag:s22] =	dma.local [hbm:s6], s20  }
0x9f: {  	_ =	swait.ge [sflag:s22], s20  }
0xa0: {  	s5 =	ssub.s32 $0x0, s20;
	[sflag:s22] =	ssyncset.done $0x0  }
0xa1: {  	[sflag:s22] =	ssyncadd.s32 s5;
	_ =	sdelay $0x1  }
0xa2: {  	s23 =	simm.s32 $0x1B8B  }
0xa3: {  	_ =	swait.ge [sflag:s23], $0x1  }
0xa4: {  	[sflag:s23] =	ssyncset.done $0x0  }
0xa5: {  	s25 =	simm.s32 $0x1B8E;
	s24 =	sld [smem:$0x3FFE];
	[sflag:s23] =	ssyncadd.s32 $0xFFFFFFFF  }
0xa6: {  	s26 =	simm.s32 $execute0_lowered;
	[smem:$0x3FD2] =	sst s25  }
0xa7: {  	s6 =	sshll.u32 s26, $0x1;
	_ =	strace $0x80000046;
	[dreg:$0x1] =	wrdreg $0xFFFFFFFF  }
0xa8: {  	s28 =	simm.s32 $_size_execute0_lowered;
	s4 =	sadd.s32 s4, s6;
	[dreg:$0x0] =	wrdreg $0x0  }
0xa9: {  	s6 =	sshll.u32 s28, $0x1;
	[dreg:$0x2] =	wrdreg s4  }
0xaa: {  	[dreg:$0x3] =	wrdreg s6  }
0xab: {  	[dreg:$0x4] =	wrdreg $0xC0  }
0xac: {  	_ =	task [dreg:s8], $0x5FFFF  }
0xad: {  	[dreg:$0x1] =	wrdreg $0xFFFFFFFF  }
0xae: {  	[dreg:$0x0] =	wrdreg $0x60  }
0xaf: {  	[dreg:$0x2] =	wrdreg s2  }
0xb0: {  	[dreg:$0x3] =	wrdreg s18  }
0xb1: {  	[dreg:$0x4] =	wrdreg s24  }
0xb2: {  	[dreg:$0x5] =	wrdreg $0x9  }
0xb3: {  	_ =	task.clear_ibuf [dreg:s8], $0x6FFFF;
	_ =	strace $0x90000046  }
0xb4: {  	s29 =	simm.s32 $0x9;
	_ =	strace $0x80000048  }
0xb5: {  	_ =	swait.ge [sflag:s29], $0x1  }
0xb6: {  	[sflag:s29] =	ssyncadd.s32 $0xFFFFFFFF  }
0xb7: {  	_ =	strace $0x90000048  }
0xb8: {  	_ =	sfence  }
0xb9: {  	s30 =	sld [smem:$0x0];
	_ =	sdelay $0x2  }
0xba: {  	s31 =	sshll.u32 s1, $0xD;
	s1 =	sshrl.u32 s1, $0x2  }
0xbb: {  	s3 =	sand.u32 $0x4000, s31;
	s1 =	sadd.s32 s1, s30  }
0xbc: {  	s0 =	sor.u32 s3, s0;
	s1 =	sshll.u32 s1, $0x11  }
0xbd: {  	s0 =	sor.u32 s1, s0  }
0xbe: {  	s0 =	sadd.s32 $0x8F2B, s0  }
0xbf: {  	[sflag:s0] =	ssyncadd.remote.s32 $0x1  }
0xc0: {  	_ =	sfence.sel $0xFFFF  }
0xc1: {  	[dreg:$0x0] =	wrdreg $0xFFFFFFFF;
	(pc) =	sbr.abs _section_cstart, $3  }
0xc2: {  	[dreg:$0x1] =	wrdreg $0xFFFFFFFF  }
0xc3: {  	_ =	task.clear_ibuf [dreg:s8], $0x2FFFF;
	_ =	strace $0x9FFFFFFF  }
0xc4: {  	(tm) =	ssettm $0x7FFFFFFF  }
0xc5: {  	_ =	shalt  }
tec
execute0_lowered:
.L_overlay_start_1:
0x0: {  	(tag) =	ssettag $0x1  }
0x1: {  	s11 =	rddreg [dreg:$0x0]  }
0x2: {  	s12 =	rddreg [dreg:$0x1]  }
0x3: {  	s5 =	rddreg [dreg:$0x2]  }
0x4: {  	s0 =	rddreg [dreg:$0x3];
	s3 =	srdreg.scid  }
0x5: {  	s2 =	simm.s32 $0x0;
	s1 =	stileid.u32;
	s17 =	simm.s32 $0x80  }
0x6: {  	s18 =	simm.s32 $0x280;
	s19 =	simm.s32 $0x100;
	s20 =	simm.s32 $0x300  }
0x7: {  	s21 =	simm.s32 $0x180;
	s22 =	simm.s32 $0x380;
	s23 =	simm.s32 $0x400  }
0x8: {  	s24 =	simm.s32 $0x4400;
	s25 =	simm.s32 $0x1;
	s26 =	simm.s32 $0x8400  }
0x9: {  	s28 =	simm.s32 $0x0;
	s6 =	sand.u32 $0x1, s3;
	[smem:$0x7FF] =	sst s2  }
0xa: {  	s4 =	sshll.u32 s1, $0xA;
	s3 =	sadd.s32 $0x10C9400, s5;
	s7 =	sshll.u32 s6, $0x9  }
0xb: {  	_ =	strace $0x80000047;
	s6 =	ssub.s32 $0x2, s6;
	s7 =	sor.u32 s7, s4  }
0xc: {  	s4 =	sadd.s32 $0x600, s5;
	s30 =	sshrl.u32 s6, $0x1;
	s8 =	sshll.u32 s7, $0x4  }
0xd: {  	s10 =	sshrl.u32 s7, $0x3;
	s14 =	ssub.s32 s6, s30;
	s13 =	sadd.s32 s8, s5  }
0xe: {  	s5 =	sadd.s32 s11, s10;
	s31 =	sor.u32 $0x10, s10;
	s6 =	sadd.s32 s12, s10  }
0xf: {  	s15 =	sor.u32 $0x20, s10;
	s16 =	sor.u32 $0x30, s10;
	s14 =	smax.u32 s14, $0x1  }
0x10: {  	s7 =	sadd.s32 s11, s31;
	s8 =	sadd.s32 s12, s31;
	s9 =	sadd.s32 s11, s15  }
0x11: {  	s10 =	sadd.s32 s12, s15;
	s11 =	sadd.s32 s11, s16;
	s12 =	sadd.s32 s12, s16  }
0x12: {  	s13 =	sadd.s32 $0x187000, s13;
	s15 =	simm.s32 $0x2;
	s16 =	simm.s32 $0x200  }
.LBB2_1:
0x13: {  	[tilespmem:s2], [sflag:$0x2] =	stream.linear.gather [hbm4b:s5+s2], $0x80, $0x38;
	[tilespmem:$0x18400] =	vst v63  }
0x14: {  	_ =	swait.ge [sflag:s15], $0x80  }
0x15: {  	[sflag:s15] =	ssyncset.done $0x0  }
0x16: {  	[sflag:s15] =	ssyncadd.s32 $0xFFFFFF80  }
0x17: {  	[tilespmem:s16], [sflag:$0x2] =	stream.linear.gather [hbm4b:s6+s2], $0x80, $0x38;
	[tilespmem:$0x18400] =	vst v63  }
0x18: {  	_ =	swait.ge [sflag:s15], $0x80  }
0x19: {  	[sflag:s15] =	ssyncset.done $0x0  }
0x1a: {  	[sflag:s15] =	ssyncadd.s32 $0xFFFFFF80  }
0x1b: {  	[tilespmem:s17], [sflag:$0x2] =	stream.linear.gather [hbm4b:s7+s2], $0x80, $0x38;
	[tilespmem:$0x18400] =	vst v63  }
0x1c: {  	_ =	swait.ge [sflag:s15], $0x80  }
0x1d: {  	[sflag:s15] =	ssyncset.done $0x0  }
0x1e: {  	[sflag:s15] =	ssyncadd.s32 $0xFFFFFF80  }
0x1f: {  	[tilespmem:s18], [sflag:$0x2] =	stream.linear.gather [hbm4b:s8+s2], $0x80, $0x38;
	[tilespmem:$0x18400] =	vst v63  }
0x20: {  	_ =	swait.ge [sflag:s15], $0x80  }
0x21: {  	[sflag:s15] =	ssyncset.done $0x0  }
0x22: {  	[sflag:s15] =	ssyncadd.s32 $0xFFFFFF80  }
0x23: {  	[tilespmem:s19], [sflag:$0x2] =	stream.linear.gather [hbm4b:s9+s2], $0x80, $0x38;
	[tilespmem:$0x18400] =	vst v63  }
0x24: {  	_ =	swait.ge [sflag:s15], $0x80  }
0x25: {  	[sflag:s15] =	ssyncset.done $0x0  }
0x26: {  	[sflag:s15] =	ssyncadd.s32 $0xFFFFFF80  }
0x27: {  	[tilespmem:s20], [sflag:$0x2] =	stream.linear.gather [hbm4b:s10+s2], $0x80, $0x38;
	[tilespmem:$0x18400] =	vst v63  }
0x28: {  	_ =	swait.ge [sflag:s15], $0x80  }
0x29: {  	[sflag:s15] =	ssyncset.done $0x0  }
0x2a: {  	[sflag:s15] =	ssyncadd.s32 $0xFFFFFF80  }
0x2b: {  	[tilespmem:s21], [sflag:$0x2] =	stream.linear.gather [hbm4b:s11+s2], $0x80, $0x38;
	[tilespmem:$0x18400] =	vst v63  }
0x2c: {  	_ =	swait.ge [sflag:s15], $0x80  }
0x2d: {  	[sflag:s15] =	ssyncset.done $0x0  }
0x2e: {  	[sflag:s15] =	ssyncadd.s32 $0xFFFFFF80  }
0x2f: {  	[tilespmem:s22], [sflag:$0x2] =	stream.linear.gather [hbm4b:s12+s2], $0x80, $0x38;
	[tilespmem:$0x18400] =	vst v63  }
0x30: {  	_ =	swait.ge [sflag:s15], $0x80  }
0x31: {  	[sflag:s15] =	ssyncset.done $0x0  }
0x32: {  	[sflag:s15] =	ssyncadd.s32 $0xFFFFFF80  }
0x33: {  	[tilespmem:s23], [sflag:$0x1] =	stream.indirect.gather [hbm4b:s3+s17], $0x80, s2, s17, $0xb8;
	[tilespmem:$0x18400] =	vst v63  }
0x34: {  	_ = 	snop  }
0x35: {  	[tilespmem:s24], [sflag:$0x1] =	stream.indirect.gather [hbm4b:s4+s17], $0x80, s16, s17, $0xb8;
	[tilespmem:$0x18400] =	vst v63  }
0x36: {  	_ =	swait.ge [sflag:s25], $0x4000  }
0x37: {  	[sflag:s25] =	ssyncset.done $0x0  }
0x38: {  	[sflag:s25] =	ssyncadd.s32 $0xFFFFC000  }
0x39: {  	_ =	swait.ge [sflag:s25], $0x4000  }
0x3a: {  	[sflag:s25] =	ssyncset.done $0x0  }
0x3b: {  	s29 =	simm.s32 $0x0;
	[sflag:s25] =	ssyncadd.s32 $0xFFFFC000  }
0x3c: {  	v0 =	vld [tilespmem:s29+$0x400]  }
0x3d: {  	v1 =	vld [tilespmem:s29+$0x40F]  }
0x3e: {  	v2 =	vld [tilespmem:s29+$0x4400]  }
0x3f: {  	s30 =	simm.s32 $0x200;
	v3 =	vld [tilespmem:s29+$0x4401]  }
.LBB2_2:
0x40: {  	p0 =	sne.s32 s30, $0xFE00  }
.Ltmp0:
0x41: {  	s31 =	sshra.s32 s30, $0x2;
	[tilespmem:s29+$0x8400] =	vst v0;
	(pc) =	sbr.rel @p0 .LBB2_2-.Ltmp0, $4  }
0x42: {  	v0 =	vld [tilespmem:s31+$0x400];
	[tilespmem:s29+$0x840F] =	vst v1  }
0x43: {  	v1 =	vld [tilespmem:s31+$0x40F];
	[tilespmem:s29+$0x841F] =	vst v2  }
0x44: {  	s30 =	sadd.s32 $0x200, s30;
	v2 =	vld [tilespmem:s31+$0x4400];
	[tilespmem:s29+$0x8420] =	vst v3;
	s29 =	smov.u32 s31  }
0x45: {  	v3 =	vld [tilespmem:s29+$0x4401]  }
0x46: {  	_ = 	snop  }
0x47: {  	[tilespmem:s29+$0x8400] =	vst v0  }
0x48: {  	[tilespmem:s29+$0x840F] =	vst v1  }
0x49: {  	[tilespmem:s29+$0x841F] =	vst v2  }
0x4a: {  	[tilespmem:s29+$0x8420] =	vst v3  }
0x4b: {  	[tilespmem:s23], [sflag:$0x1] =	stream.indirect.gather [hbm4b:s3+s17], $0x80, s17, s17, $0xb8;
	[tilespmem:$0x18400] =	vst v63  }
0x4c: {  	_ = 	snop  }
0x4d: {  	[tilespmem:s24], [sflag:$0x1] =	stream.indirect.gather [hbm4b:s4+s17], $0x80, s18, s17, $0xb8;
	[tilespmem:$0x18400] =	vst v63  }
0x4e: {  	_ =	swait.ge [sflag:s25], $0x4000  }
0x4f: {  	[sflag:s25] =	ssyncset.done $0x0  }
0x50: {  	[sflag:s25] =	ssyncadd.s32 $0xFFFFC000  }
0x51: {  	_ =	swait.ge [sflag:s25], $0x4000  }
0x52: {  	[sflag:s25] =	ssyncset.done $0x0  }
0x53: {  	s29 =	simm.s32 $0x0;
	[sflag:s25] =	ssyncadd.s32 $0xFFFFC000  }
0x54: {  	v0 =	vld [tilespmem:s29+$0x400]  }
0x55: {  	v1 =	vld [tilespmem:s29+$0x40F]  }
0x56: {  	v2 =	vld [tilespmem:s29+$0x4400]  }
0x57: {  	s30 =	simm.s32 $0x200;
	v3 =	vld [tilespmem:s29+$0x4401]  }
.LBB2_4:
0x58: {  	p0 =	sne.s32 s30, $0xFE00  }
.Ltmp1:
0x59: {  	s31 =	sshra.s32 s30, $0x2;
	[tilespmem:s29+$0xC400] =	vst v0;
	(pc) =	sbr.rel @p0 .LBB2_4-.Ltmp1, $4  }
0x5a: {  	v0 =	vld [tilespmem:s31+$0x400];
	[tilespmem:s29+$0xC40F] =	vst v1  }
0x5b: {  	v1 =	vld [tilespmem:s31+$0x40F];
	[tilespmem:s29+$0xC41F] =	vst v2  }
0x5c: {  	s30 =	sadd.s32 $0x200, s30;
	v2 =	vld [tilespmem:s31+$0x4400];
	[tilespmem:s29+$0xC420] =	vst v3;
	s29 =	smov.u32 s31  }
0x5d: {  	v3 =	vld [tilespmem:s29+$0x4401]  }
0x5e: {  	_ = 	snop  }
0x5f: {  	[tilespmem:s29+$0xC400] =	vst v0  }
0x60: {  	[tilespmem:s29+$0xC40F] =	vst v1  }
0x61: {  	[tilespmem:s29+$0xC41F] =	vst v2  }
0x62: {  	[tilespmem:s29+$0xC420] =	vst v3  }
0x63: {  	[tilespmem:s23], [sflag:$0x1] =	stream.indirect.gather [hbm4b:s3+s17], $0x80, s19, s17, $0xb8;
	[tilespmem:$0x18400] =	vst v63  }
0x64: {  	_ = 	snop  }
0x65: {  	[tilespmem:s24], [sflag:$0x1] =	stream.indirect.gather [hbm4b:s4+s17], $0x80, s20, s17, $0xb8;
	[tilespmem:$0x18400] =	vst v63  }
0x66: {  	_ =	swait.ge [sflag:s25], $0x4000  }
0x67: {  	[sflag:s25] =	ssyncset.done $0x0  }
0x68: {  	[sflag:s25] =	ssyncadd.s32 $0xFFFFC000  }
0x69: {  	_ =	swait.ge [sflag:s25], $0x4000  }
0x6a: {  	[sflag:s25] =	ssyncset.done $0x0  }
0x6b: {  	s29 =	simm.s32 $0x0;
	[sflag:s25] =	ssyncadd.s32 $0xFFFFC000  }
0x6c: {  	v0 =	vld [tilespmem:s29+$0x400]  }
0x6d: {  	v1 =	vld [tilespmem:s29+$0x40F]  }
0x6e: {  	v2 =	vld [tilespmem:s29+$0x4400]  }
0x6f: {  	s30 =	simm.s32 $0x200;
	v3 =	vld [tilespmem:s29+$0x4401]  }
.LBB2_6:
0x70: {  	p0 =	sne.s32 s30, $0xFE00  }
.Ltmp2:
0x71: {  	s31 =	sshra.s32 s30, $0x2;
	[tilespmem:s29+$0x10400] =	vst v0;
	(pc) =	sbr.rel @p0 .LBB2_6-.Ltmp2, $4  }
0x72: {  	v0 =	vld [tilespmem:s31+$0x400];
	[tilespmem:s29+$0x1040F] =	vst v1  }
0x73: {  	v1 =	vld [tilespmem:s31+$0x40F];
	[tilespmem:s29+$0x1041F] =	vst v2  }
0x74: {  	s30 =	sadd.s32 $0x200, s30;
	v2 =	vld [tilespmem:s31+$0x4400];
	[tilespmem:s29+$0x10420] =	vst v3;
	s29 =	smov.u32 s31  }
0x75: {  	v3 =	vld [tilespmem:s29+$0x4401]  }
0x76: {  	_ = 	snop  }
0x77: {  	[tilespmem:s29+$0x10400] =	vst v0  }
0x78: {  	[tilespmem:s29+$0x1040F] =	vst v1  }
0x79: {  	[tilespmem:s29+$0x1041F] =	vst v2  }
0x7a: {  	[tilespmem:s29+$0x10420] =	vst v3  }
0x7b: {  	[tilespmem:s23], [sflag:$0x1] =	stream.indirect.gather [hbm4b:s3+s17], $0x80, s21, s17, $0xb8;
	[tilespmem:$0x18400] =	vst v63  }
0x7c: {  	_ = 	snop  }
0x7d: {  	[tilespmem:s24], [sflag:$0x1] =	stream.indirect.gather [hbm4b:s4+s17], $0x80, s22, s17, $0xb8;
	[tilespmem:$0x18400] =	vst v63  }
0x7e: {  	_ =	swait.ge [sflag:s25], $0x4000  }
0x7f: {  	[sflag:s25] =	ssyncset.done $0x0  }
0x80: {  	[sflag:s25] =	ssyncadd.s32 $0xFFFFC000  }
0x81: {  	_ =	swait.ge [sflag:s25], $0x4000  }
0x82: {  	[sflag:s25] =	ssyncset.done $0x0  }
0x83: {  	s29 =	simm.s32 $0x0;
	[sflag:s25] =	ssyncadd.s32 $0xFFFFC000  }
0x84: {  	v0 =	vld [tilespmem:s29+$0x400]  }
0x85: {  	v1 =	vld [tilespmem:s29+$0x40F]  }
0x86: {  	v2 =	vld [tilespmem:s29+$0x4400]  }
0x87: {  	s30 =	simm.s32 $0x200;
	v3 =	vld [tilespmem:s29+$0x4401]  }
.LBB2_8:
0x88: {  	p0 =	sne.s32 s30, $0xFE00  }
.Ltmp3:
0x89: {  	s31 =	sshra.s32 s30, $0x2;
	[tilespmem:s29+$0x14400] =	vst v0;
	(pc) =	sbr.rel @p0 .LBB2_8-.Ltmp3, $4  }
0x8a: {  	v0 =	vld [tilespmem:s31+$0x400];
	[tilespmem:s29+$0x1440F] =	vst v1  }
0x8b: {  	v1 =	vld [tilespmem:s31+$0x40F];
	[tilespmem:s29+$0x1441F] =	vst v2  }
0x8c: {  	s30 =	sadd.s32 $0x200, s30;
	v2 =	vld [tilespmem:s31+$0x4400];
	[tilespmem:s29+$0x14420] =	vst v3;
	s29 =	smov.u32 s31  }
0x8d: {  	v3 =	vld [tilespmem:s29+$0x4401]  }
0x8e: {  	_ = 	snop  }
0x8f: {  	[tilespmem:s29+$0x14400] =	vst v0  }
0x90: {  	s28 =	sadd.s32 $0x1, s28;
	[tilespmem:s29+$0x1440F] =	vst v1  }
0x91: {  	p0 =	sne.s32 s28, s14;
	[tilespmem:s29+$0x1441F] =	vst v2  }
.Ltmp4:
0x92: {  	[tilespmem:s29+$0x14420] =	vst v3;
	(pc) =	sbr.rel @p0 .LBB2_1-.Ltmp4, $4  }
0x93: {  	[hbm4b:s13+s2] =	stream.linear.scatter [tilespmem:s26], [sflag:$0x2], $0x10000, $0x38;
	[tilespmem:$0x18400] =	vst v63  }
0x94: {  	_ =	swait.ge [sflag:s15], $0x10000  }
0x95: {  	[sflag:s15] =	ssyncset.done $0x0  }
0x96: {  	[sflag:s15] =	ssyncadd.s32 $0xFFFF0000  }
0x97: {  	_ =	sfence.sel $0x180000  }
0x98: {  	[bflag:$0x0] =	sbarrier.arrive $0xFFFF  }
0x99: {  	p0 =	sne.s32 s1, $0x0;
	_ =	strace $0x90000047  }
0x9a: {  	s0 =	sadd.s32 @!p0 $0x100000, s0;
	[bflag:$0x2] =	sbarrier.arrive $0xFFFF  }
0x9b: {  	[sflag:s0] =	ssyncadd.tile.s32 @!p0 $0x1;
	_ =	shalt  }
.Lfunc_end2:
_tile_overlayer_lowered:
.L_overlay_start_2:
0x9c: {  	(tag) =	ssettag $0x2  }
0x9d: {  	s0 =	rddreg [dreg:$0x0];
	s2 =	stileid.u32  }
0x9e: {  	s1 =	rddreg [dreg:$0x1];
	p0 =	sne.s32 s2, $0x0  }
0x9f: {  	s3 =	rddreg [dreg:$0x2];
	[bflag:$0x3] =	sbarrier.arrive $0xFFFF;
	s2 =	simm.s32 @!p0 $0x1C02  }
0xa0: {  	[timem:s3], [sflag:s2] =	dma.local @!p0 [hbm:s0], s1  }
0xa1: {  	s0 =	simm.s32 @!p0 $0x2  }
0xa2: {  	_ =	swait.ge @!p0 [sflag:s0], s1  }
0xa3: {  	s1 =	ssub.s32 @!p0 $0x0, s1;
	[sflag:s0] =	ssyncset.done @!p0 $0x0  }
0xa4: {  	[sflag:s0] =	ssyncadd.s32 @!p0 s1  }
0xa5: {  	[bflag:$0x3] =	sbarrier.arrive $0xFFFF  }
0xa6: {  	_ =	shalt  }

</sc_bundles>
